<compile_context>
chip_gen: v7x
topology: tpu7x:2x2x1
jax: 0.10.2.dev20260603
libtpu: 0.0.44.dev20260713+nightly
codegen_flags: <defaults>
</compile_context>

<pallas_src>
import functools

import jax
import jax.numpy as jnp
from jax.experimental import pallas as pl

_EPS = 1e-5
_TEMP = 0.5



def _mm_body(x_ref, w_ref, b_ref, o_ref, *, relu_in):
    x = x_ref[...]
    if relu_in:
        x = jnp.maximum(x, 0.0)
    o_ref[...] = (
        jnp.dot(x, w_ref[...], preferred_element_type=jnp.float32) + b_ref[...]
    )


def _mm(x, w, b, relu_in=False, blk=1000):
    n, k = x.shape
    m = w.shape[1]
    g = n // blk
    return pl.pallas_call(
        functools.partial(_mm_body, relu_in=relu_in),
        grid=(g,),
        in_specs=[
            pl.BlockSpec((blk, k), lambda i: (i, 0)),
            pl.BlockSpec((k, m), lambda i: (0, 0)),
            pl.BlockSpec((1, m), lambda i: (0, 0)),
        ],
        out_specs=pl.BlockSpec((blk, m), lambda i: (i, 0)),
        out_shape=jax.ShapeDtypeStruct((n, m), jnp.float32),
    )(x, w, b.reshape(1, -1))



def _cl_body(x1_ref, x2t_ref, colsum_ref, rowsum_ref, pos_ref, *, blk):
    i = pl.program_id(0)
    x1 = x1_ref[...]
    x2t = x2t_ref[...]
    n1 = jnp.sqrt(jnp.sum(x1 * x1, -1, keepdims=True))
    n2 = jnp.sqrt(jnp.sum(x2t * x2t, 0, keepdims=True))
    sim = jnp.exp(
        jnp.dot(x1, x2t, preferred_element_type=jnp.float32)
        / (n1 * n2 + _EPS)
        / _TEMP
    )

    @pl.when(i == 0)
    def _():
        colsum_ref[...] = jnp.zeros_like(colsum_ref)

    colsum_ref[...] += jnp.sum(sim, 0, keepdims=True)
    rowsum_ref[0, 0, :] = jnp.sum(sim, 1)
    rows = jax.lax.broadcasted_iota(jnp.int32, sim.shape, 0)
    cols = jax.lax.broadcasted_iota(jnp.int32, sim.shape, 1)
    pos_ref[0, 0, :] = jnp.sum(
        jnp.where(cols == rows + i * blk, sim, 0.0), 1
    )


def _cl_loss(x1, x2, blk=400):
    n, d = x1.shape
    g = n // blk
    colsum, rowsum, pos = pl.pallas_call(
        functools.partial(_cl_body, blk=blk),
        grid=(g,),
        in_specs=[
            pl.BlockSpec((blk, d), lambda i: (i, 0)),
            pl.BlockSpec((d, n), lambda i: (0, 0)),
        ],
        out_specs=[
            pl.BlockSpec((1, n), lambda i: (0, 0)),
            pl.BlockSpec((1, 1, blk), lambda i: (i, 0, 0)),
            pl.BlockSpec((1, 1, blk), lambda i: (i, 0, 0)),
        ],
        out_shape=[
            jax.ShapeDtypeStruct((1, n), jnp.float32),
            jax.ShapeDtypeStruct((g, 1, blk), jnp.float32),
            jax.ShapeDtypeStruct((g, 1, blk), jnp.float32),
        ],
    )(x1, x2.T)
    s0 = colsum.reshape(-1)
    s1 = rowsum.reshape(-1)
    p = pos.reshape(-1)
    l1 = -jnp.mean(jnp.log(p / (s0 - p + _EPS)))
    l2 = -jnp.mean(jnp.log(p / (s1 - p + _EPS)))
    return (l1 + l2) / 2.0



def _rm_body(f_ref, wt_ref, b_ref, k_ref, o_ref):
    k = k_ref[0, 0]
    f = f_ref[...]
    d = f.shape[-1]
    fsq = jnp.sum(f * f, -1, keepdims=True)
    xn = jnp.sqrt(fsq) + _EPS
    radius = 1.0 / jnp.sqrt(jnp.abs(k) + _EPS)
    xp = f * (0.9 * 0.5 * radius / xn)
    xpsq = jnp.sum(xp * xp, -1, keepdims=True)
    wt = wt_ref[...]
    wsq = jnp.sum(wt * wt, 0, keepdims=True)
    div = xpsq + wsq - 2.0 * jnp.dot(xp, wt, preferred_element_type=jnp.float32)
    dist = jnp.log((1.0 + k * xpsq) / (div + _EPS) + _EPS)
    o_ref[...] = jnp.exp((d - 1) * dist / 2.0) * jnp.cos(dist + b_ref[...])


def _rand_map(feat, W, bias, k, blk=1000):
    n, d = feat.shape
    m = W.shape[0]
    g = n // blk
    return pl.pallas_call(
        _rm_body,
        grid=(g,),
        in_specs=[
            pl.BlockSpec((blk, d), lambda i: (i, 0)),
            pl.BlockSpec((d, m), lambda i: (0, 0)),
            pl.BlockSpec((1, m), lambda i: (0, 0)),
            pl.BlockSpec((1, 1), lambda i: (0, 0)),
        ],
        out_specs=pl.BlockSpec((blk, m), lambda i: (i, 0)),
        out_shape=jax.ShapeDtypeStruct((n, m), jnp.float32),
    )(feat, W.T, bias.reshape(1, -1), k.reshape(1, 1))



def _bce_body(z_ref, w1_ref, b1_ref, w2_ref, b2_ref, o_ref, *, neg):
    i = pl.program_id(0)
    h = jnp.maximum(
        jnp.dot(z_ref[...], w1_ref[...], preferred_element_type=jnp.float32)
        + b1_ref[...],
        0.0,
    )
    logit = (
        jnp.dot(h, w2_ref[...], preferred_element_type=jnp.float32)
        + b2_ref[0, 0]
    )
    x = logit if neg else -logit
    sp = jnp.maximum(x, 0.0) + jnp.log1p(jnp.exp(-jnp.abs(x)))

    @pl.when(i == 0)
    def _():
        o_ref[...] = jnp.zeros_like(o_ref)

    o_ref[...] += jnp.sum(sp).reshape(1, 1)


def _bce(zf, w1, b1, w2, b2, neg, blk=1000):
    n, k = zf.shape
    m = w1.shape[1]
    g = n // blk
    tot = pl.pallas_call(
        functools.partial(_bce_body, neg=neg),
        grid=(g,),
        in_specs=[
            pl.BlockSpec((blk, k), lambda i: (i, 0)),
            pl.BlockSpec((k, m), lambda i: (0, 0)),
            pl.BlockSpec((1, m), lambda i: (0, 0)),
            pl.BlockSpec((m, 1), lambda i: (0, 0)),
            pl.BlockSpec((1, 1), lambda i: (0, 0)),
        ],
        out_specs=pl.BlockSpec((1, 1), lambda i: (0, 0)),
        out_shape=jax.ShapeDtypeStruct((1, 1), jnp.float32),
    )(zf, w1, b1.reshape(1, -1), w2, b2.reshape(1, 1))
    return tot[0, 0] / n



def _ln_body(a_ref, b_ref, c_ref, g_ref, be_ref, o_ref):
    x = jnp.concatenate([a_ref[...], b_ref[...], c_ref[...]], -1)
    mu = jnp.mean(x, -1, keepdims=True)
    var = jnp.mean((x - mu) * (x - mu), -1, keepdims=True)
    o_ref[...] = (x - mu) / jnp.sqrt(var + 1e-5) * g_ref[...] + be_ref[...]


def _layer_norm3(a, b, c, gamma, beta, blk=1000):
    n = a.shape[0]
    da, db, dc = a.shape[1], b.shape[1], c.shape[1]
    dt = da + db + dc
    g = n // blk
    return pl.pallas_call(
        _ln_body,
        grid=(g,),
        in_specs=[
            pl.BlockSpec((blk, da), lambda i: (i, 0)),
            pl.BlockSpec((blk, db), lambda i: (i, 0)),
            pl.BlockSpec((blk, dc), lambda i: (i, 0)),
            pl.BlockSpec((1, dt), lambda i: (0, 0)),
            pl.BlockSpec((1, dt), lambda i: (0, 0)),
        ],
        out_specs=pl.BlockSpec((blk, dt), lambda i: (i, 0)),
        out_shape=jax.ShapeDtypeStruct((n, dt), jnp.float32),
    )(a, b, c, gamma.reshape(1, -1), beta.reshape(1, -1))



def _spmm_body(a_ref, h_ref, o_ref):
    o_ref[...] = jnp.dot(
        a_ref[...], h_ref[...], preferred_element_type=jnp.float32
    )


def _spmm_fused_body(a_ref, u_ref, w2_ref, b2_ref, o_ref):
    t = jnp.dot(a_ref[...], u_ref[...], preferred_element_type=jnp.float32)
    t = jnp.maximum(t, 0.0)
    o_ref[...] = (
        jnp.dot(t, w2_ref[...], preferred_element_type=jnp.float32)
        + b2_ref[...]
    )


def _agg(A, h, blk=400):
    n = A.shape[0]
    f = h.shape[1]
    return pl.pallas_call(
        _spmm_body,
        grid=(n // blk,),
        in_specs=[
            pl.BlockSpec((blk, n), lambda i: (i, 0)),
            pl.BlockSpec((n, f), lambda i: (0, 0)),
        ],
        out_specs=pl.BlockSpec((blk, f), lambda i: (i, 0)),
        out_shape=jax.ShapeDtypeStruct((n, f), jnp.float32),
    )(A, h)


def _agg_relu_mm(A, u, w2, b2, blk=400):
    n = A.shape[0]
    k = u.shape[1]
    m = w2.shape[1]
    return pl.pallas_call(
        _spmm_fused_body,
        grid=(n // blk,),
        in_specs=[
            pl.BlockSpec((blk, n), lambda i: (i, 0)),
            pl.BlockSpec((n, k), lambda i: (0, 0)),
            pl.BlockSpec((k, m), lambda i: (0, 0)),
            pl.BlockSpec((1, m), lambda i: (0, 0)),
        ],
        out_specs=pl.BlockSpec((blk, m), lambda i: (i, 0)),
        out_shape=jax.ShapeDtypeStruct((n, m), jnp.float32),
    )(A, u, w2, b2.reshape(1, -1))


def _gcn(x, A, W1, b1, W2, b2):
    u = _mm(x, W1, b1)
    h2 = _agg_relu_mm(A, u, W2, b2)
    return _agg(A, h2)


def kernel(x, edge_index, motif, neg_motif, rm_feat_0, rm_feat_1, k0, k1,
           e1W1, e1b1, e1W2, e1b2, e2W1, e2b1, e2W2, e2b2, Ws_0, Ws_1,
           bias_0, bias_1, mW1, mb1, mW2, mb2, gamma, beta):
    n = x.shape[0]
    ar = jnp.arange(n, dtype=edge_index.dtype)
    src = jnp.concatenate([edge_index[0], ar])
    dst = jnp.concatenate([edge_index[1], ar])
    deg = jnp.zeros((n,), jnp.float32).at[dst].add(1.0)
    dinv = 1.0 / jnp.sqrt(jnp.maximum(deg, 1.0))
    coef = dinv[src] * dinv[dst]
    A = (
        jnp.zeros((n * n,), jnp.float32)
        .at[dst * n + src]
        .add(coef)
        .reshape(n, n)
    )

    xe = _gcn(x, A, e1W1, e1b1, e1W2, e1b2)
    z0 = _rand_map(rm_feat_0, Ws_0, bias_0, k0)
    z1 = _rand_map(rm_feat_1, Ws_1, bias_1, k1)
    emb0 = _gcn(z0, A, e2W1, e2b1, e2W2, e2b2)
    emb1 = _gcn(z1, A, e2W1, e2b1, e2W2, e2b2)

    closs = _cl_loss(xe, emb0) + _cl_loss(xe, emb1)

    mloss = 0.0
    for z in (z0, z1):
        pf = jnp.concatenate([z[motif[0]], z[motif[1]], z[motif[2]]], -1)
        nf = jnp.concatenate(
            [z[neg_motif[0]], z[neg_motif[1]], z[neg_motif[2]]], -1)
        mloss = mloss + _bce(pf, mW1, mb1, mW2, mb2, neg=False)
        mloss = mloss + _bce(nf, mW1, mb1, mW2, mb2, neg=True)

    loss = closs / 2.0 + mloss / 2.0
    out = _layer_norm3(xe, emb0, emb1, gamma, beta)
    return (out, loss)

# --- scband reference (transcript-rebuilt; emitter-appended) ---
"""Pipeline reference for scband-model-17952963297736 (READ-ONLY COPY).

The authoritative reference and input builder live on the scoring server;
editing this copy changes nothing except your own understanding.
"""

import jax, jax.numpy as jnp
import numpy as np

EPS = 1e-5
N = 10000; E = 160000; IN_F = 256; HID = 256; EMB = 128
D = 32; D_EMBEDS = 64; M = 20000; TEMP = 0.5
RAND_CONST = 0.5

def setup_inputs(seed: int = 0):
    key = jax.random.key(seed)
    ks = jax.random.split(key, 30)
    def rn(i, shape, scale=1.0):
        return jax.random.normal(ks[i], shape, jnp.float32) * scale
    inp = {}
    inp["x"] = rn(0, (N, IN_F))
    inp["edge_index"] = jax.random.randint(ks[1], (2, E), 0, N, dtype=jnp.int32)
    inp["motif"] = jax.random.randint(ks[2], (3, M), 0, N, dtype=jnp.int32)
    inp["neg_motif"] = jax.random.randint(ks[3], (3, M), 0, N, dtype=jnp.int32)
    inp["rm_feat_0"] = rn(4, (N, D), 1e-4)
    inp["rm_feat_1"] = rn(5, (N, D), 1e-4)
    inp["k0"] = jnp.float32(1.0)
    inp["k1"] = jnp.float32(0.5)
    inp["e1W1"] = rn(6, (IN_F, HID), 1.0/np.sqrt(IN_F))
    inp["e1b1"] = jnp.zeros((HID,), jnp.float32)
    inp["e1W2"] = rn(7, (HID, EMB), 1.0/np.sqrt(HID))
    inp["e1b2"] = jnp.zeros((EMB,), jnp.float32)
    inp["e2W1"] = rn(8, (D_EMBEDS, HID), 1.0/np.sqrt(D_EMBEDS))
    inp["e2b1"] = jnp.zeros((HID,), jnp.float32)
    inp["e2W2"] = rn(9, (HID, EMB), 1.0/np.sqrt(HID))
    inp["e2b2"] = jnp.zeros((EMB,), jnp.float32)
    w0 = rn(10, (D_EMBEDS, D)); inp["Ws_0"] = w0 / (jnp.linalg.norm(w0, axis=-1, keepdims=True) + EPS)
    w1 = rn(11, (D_EMBEDS, D)); inp["Ws_1"] = w1 / (jnp.linalg.norm(w1, axis=-1, keepdims=True) + EPS)
    inp["bias_0"] = 2*np.pi*jax.random.uniform(ks[12], (D_EMBEDS,), jnp.float32)
    inp["bias_1"] = 2*np.pi*jax.random.uniform(ks[13], (D_EMBEDS,), jnp.float32)
    inp["mW1"] = rn(14, (3*D_EMBEDS, 64), 1.0/np.sqrt(3*D_EMBEDS))
    inp["mb1"] = jnp.zeros((64,), jnp.float32)
    inp["mW2"] = rn(15, (64, 1), 1.0/8.0)
    inp["mb2"] = jnp.zeros((1,), jnp.float32)
    inp["gamma"] = jnp.ones((3*EMB,), jnp.float32)
    inp["beta"] = jnp.zeros((3*EMB,), jnp.float32)
    return inp

def gcn(x, edge_index, W1, b1, W2, b2):
    n = x.shape[0]
    src = jnp.concatenate([edge_index[0], jnp.arange(n, dtype=edge_index.dtype)])
    dst = jnp.concatenate([edge_index[1], jnp.arange(n, dtype=edge_index.dtype)])
    deg = jnp.zeros((n,), jnp.float32).at[dst].add(1.0)
    dinv = 1.0 / jnp.sqrt(jnp.maximum(deg, 1.0))
    coef = dinv[src] * dinv[dst]
    h = x @ W1 + b1
    h = jnp.zeros((n, h.shape[1]), h.dtype).at[dst].add(h[src] * coef[:, None])
    h = jax.nn.relu(h)
    h = h @ W2 + b2
    h = jnp.zeros((n, h.shape[1]), h.dtype).at[dst].add(h[src] * coef[:, None])
    return h

def normalize(feat, k):
    xn = jnp.linalg.norm(feat, axis=-1, keepdims=True) + EPS
    radius = 1.0 / jnp.sqrt(jnp.abs(k) + EPS)
    return feat / xn * 0.9 * RAND_CONST * radius

def random_mapping(xp, W, b, k):
    div = jnp.sum((xp[:, None, :] - W[None, :, :]) ** 2, axis=-1)
    distance = jnp.log((1.0 + k * jnp.sum(xp * xp, -1, keepdims=True)) / (div + EPS) + EPS)
    n = xp.shape[-1]
    return jnp.exp((n - 1) * distance / 2.0) * jnp.cos(distance + b)

def cl_loss(x1, x2):
    n1 = jnp.linalg.norm(x1, axis=-1)
    n2 = jnp.linalg.norm(x2, axis=-1)
    sim = jnp.exp((x1 @ x2.T) / (n1[:, None] * n2[None, :] + EPS) / TEMP)
    pos = jnp.diag(sim)
    l1 = -jnp.log(pos / (sim.sum(0) - pos + EPS)).mean()
    l2 = -jnp.log(pos / (sim.sum(1) - pos + EPS)).mean()
    return (l1 + l2) / 2.0

def bce_logits(logits, target_one):
    if target_one:
        return jnp.mean(jax.nn.softplus(-logits))
    return jnp.mean(jax.nn.softplus(logits))

def motif_feats(feat, motifs):
    return jnp.concatenate([feat[motifs[0]], feat[motifs[1]], feat[motifs[2]]], -1)

def layer_norm(x, gamma, beta):
    mu = x.mean(-1, keepdims=True)
    var = x.var(-1, keepdims=True)
    return (x - mu) / jnp.sqrt(var + 1e-5) * gamma + beta

def reference(x, edge_index, motif, neg_motif, rm_feat_0, rm_feat_1, k0, k1, e1W1, e1b1, e1W2, e1b2, e2W1, e2b1, e2W2, e2b2, Ws_0, Ws_1, bias_0, bias_1, mW1, mb1, mW2, mb2, gamma, beta):
    products = [normalize(rm_feat_0, k0), normalize(rm_feat_1, k1)]
    xe = gcn(x, edge_index, e1W1, e1b1, e1W2, e1b2)
    laplacian = [random_mapping(products[0], Ws_0, bias_0, k0), random_mapping(products[1], Ws_1, bias_1, k1)]
    closs = 0.0
    embeds = []
    for z in laplacian:
        emb = gcn(z, edge_index, e2W1, e2b1, e2W2, e2b2)
        closs = closs + cl_loss(xe, emb)
        embeds.append(emb)
    mloss = 0.0
    for z in laplacian:
        pos = jax.nn.relu(motif_feats(z, motif) @ mW1 + mb1) @ mW2 + mb2
        neg = jax.nn.relu(motif_feats(z, neg_motif) @ mW1 + mb1) @ mW2 + mb2
        mloss = mloss + bce_logits(pos, True) + bce_logits(neg, False)
    loss = closs / len(laplacian) + mloss / len(laplacian)
    out = layer_norm(jnp.concatenate([xe] + embeds, -1), gamma, beta)
    return (out, loss)

if __name__ == "__main__":
    import jax
    _d = setup_inputs()
    print(jax.jit(kernel)(*tuple(_d.values())))

</pallas_src>

<mosaic_0001>
module attributes {stable_mosaic.version = 14 : i64} {
  func.func @_mm_body(%arg0: i32, %arg1: memref<1000x64xf32, #tpu.memory_space<vmem>>, %arg2: memref<64x256xf32, #tpu.memory_space<vmem>>, %arg3: memref<1x256xf32, #tpu.memory_space<vmem>>, %arg4: memref<1000x256xf32, #tpu.memory_space<vmem>>) attributes {dimension_semantics = [#tpu.dimension_semantics<arbitrary>], iteration_bounds = array<i64: 10>, scalar_prefetch = 0 : i64, scratch_operands = 0 : i64, tpu.core_type = #tpu.core_type<tc>, window_params = [{transform_indices = @transform_0, window_bounds = array<i64: 1000, 64>}, {pipeline_mode = #tpu.pipeline_mode<synchronous>, transform_indices = @transform_1, window_bounds = array<i64: 64, 256>}, {pipeline_mode = #tpu.pipeline_mode<synchronous>, transform_indices = @transform_2, window_bounds = array<i64: 1, 256>}, {transform_indices = @transform_3, window_bounds = array<i64: 1000, 256>}]} {
    %get3A = arith.constant 0 : index
    %get3A_0 = arith.constant 0 : index
    %get3A_1 = vector.load %arg1[%get3A, %get3A_0] : memref<1000x64xf32, #tpu.memory_space<vmem>>, vector<1000x64xf32>
    %get3A_2 = arith.constant 0 : index
    %get3A_3 = arith.constant 0 : index
    %get3A_4 = vector.load %arg2[%get3A_2, %get3A_3] : memref<64x256xf32, #tpu.memory_space<vmem>>, vector<64x256xf32>
    %dot_general3A = arith.constant dense<0.000000e+00> : vector<1000x256xf32>
    %dot_general3A_5 = tpu.matmul %get3A_1, %get3A_4, %dot_general3A {dimension_numbers = #tpu.dot_dimension_numbers<[1], [0], [0], [1], [0, 0, 1, 1], [], []>, transpose_lhs_hint = false} : vector<1000x64xf32>, vector<64x256xf32>, vector<1000x256xf32> -> vector<1000x256xf32>
    %get3A_6 = arith.constant 0 : index
    %get3A_7 = arith.constant 0 : index
    %get3A_8 = vector.load %arg3[%get3A_6, %get3A_7] : memref<1x256xf32, #tpu.memory_space<vmem>>, vector<1x256xf32>
    %add3A = vector.broadcast %get3A_8 : vector<1x256xf32> to vector<1000x256xf32>
    %add3A_9 = arith.addf %dot_general3A_5, %add3A : vector<1000x256xf32>
    %swap3A = arith.constant 0 : index
    %swap3A_10 = arith.constant 0 : index
    %swap3A_11 = vector.load %arg4[%swap3A, %swap3A_10] : memref<1000x256xf32, #tpu.memory_space<vmem>>, vector<1000x256xf32>
    tpu.vector_store %arg4[%swap3A, %swap3A_10], %add3A_9 {strides = array<i32>} : memref<1000x256xf32, #tpu.memory_space<vmem>>, vector<1000x256xf32>,
    return
  }
  func.func @transform_0(%arg0: i32) -> (i32, i32) {
    %c0_i32 = arith.constant 0 : i32
    %c0_i32_0 = arith.constant 0 : i32
    return %arg0, %c0_i32 : i32, i32
  }
  func.func @transform_1(%arg0: i32) -> (i32, i32) {
    %c0_i32 = arith.constant 0 : i32
    %c0_i32_0 = arith.constant 0 : i32
    %c0_i32_1 = arith.constant 0 : i32
    return %c0_i32, %c0_i32_0 : i32, i32
  }
  func.func @transform_2(%arg0: i32) -> (i32, i32) {
    %c0_i32 = arith.constant 0 : i32
    %c0_i32_0 = arith.constant 0 : i32
    %c0_i32_1 = arith.constant 0 : i32
    return %c0_i32, %c0_i32_0 : i32, i32
  }
  func.func @transform_3(%arg0: i32) -> (i32, i32) {
    %c0_i32 = arith.constant 0 : i32
    %c0_i32_0 = arith.constant 0 : i32
    return %arg0, %c0_i32 : i32, i32
  }
}

module attributes {stable_mosaic.version = 14 : i64} {
  func.func @_rm_body(%arg0: i32, %arg1: memref<1000x32xf32, #tpu.memory_space<vmem>>, %arg2: memref<32x64xf32, #tpu.memory_space<vmem>>, %arg3: memref<1x64xf32, #tpu.memory_space<vmem>>, %arg4: memref<1x1xf32, #tpu.memory_space<vmem>>, %arg5: memref<1000x64xf32, #tpu.memory_space<vmem>>) attributes {dimension_semantics = [#tpu.dimension_semantics<arbitrary>], iteration_bounds = array<i64: 10>, scalar_prefetch = 0 : i64, scratch_operands = 0 : i64, tpu.core_type = #tpu.core_type<tc>, window_params = [{transform_indices = @transform_0, window_bounds = array<i64: 1000, 32>}, {pipeline_mode = #tpu.pipeline_mode<synchronous>, transform_indices = @transform_1, window_bounds = array<i64: 32, 64>}, {pipeline_mode = #tpu.pipeline_mode<synchronous>, transform_indices = @transform_2, window_bounds = array<i64: 1, 64>}, {pipeline_mode = #tpu.pipeline_mode<synchronous>, transform_indices = @transform_3, window_bounds = array<i64: 1, 1>}, {transform_indices = @transform_4, window_bounds = array<i64: 1000, 64>}]} {
    %get3A = arith.constant 0 : index
    %get3A_0 = arith.constant 0 : index
    %get3A_1 = vector.load %arg4[%get3A, %get3A_0] : memref<1x1xf32, #tpu.memory_space<vmem>>, vector<1x1xf32>
    %get3A_2 = vector.extract %get3A_1[0, 0] : f32 from vector<1x1xf32>
    %get3A_3 = arith.constant 0 : index
    %get3A_4 = arith.constant 0 : index
    %get3A_5 = vector.load %arg1[%get3A_3, %get3A_4] : memref<1000x32xf32, #tpu.memory_space<vmem>>, vector<1000x32xf32>
    %mul3A = arith.mulf %get3A_5, %get3A_5 : vector<1000x32xf32>
    %reduce_sum3A = arith.constant dense<0.000000e+00> : vector<1000xf32>
    %reduce_sum3A_6 = vector.multi_reduction <add>, %mul3A, %reduce_sum3A [1] : vector<1000x32xf32> to vector<1000xf32>
    %broadcast_in_dim3A = vector.shape_cast %reduce_sum3A_6 : vector<1000xf32> to vector<1000x1xf32>
    %sqrt3A = math.sqrt %broadcast_in_dim3A : vector<1000x1xf32>
    %add3A = arith.constant 9.99999974E-6 : f32
    %add3A_7 = vector.broadcast %add3A : f32 to vector<1000x1xf32>
    %add3A_8 = arith.addf %sqrt3A, %add3A_7 : vector<1000x1xf32>
    %abs3A = math.absf %get3A_2 : f32
    %add3A_9 = arith.constant 9.99999974E-6 : f32
    %add3A_10 = arith.addf %abs3A, %add3A_9 : f32
    %sqrt3A_11 = math.sqrt %add3A_10 : f32
    %div3A = arith.constant 1.000000e+00 : f32
    %div3A_12 = arith.divf %div3A, %sqrt3A_11 : f32
    %mul3A_13 = arith.constant 4.500000e-01 : f32
    %mul3A_14 = arith.mulf %mul3A_13, %div3A_12 : f32
    %div3A_15 = vector.broadcast %mul3A_14 : f32 to vector<1000x1xf32>
    %div3A_16 = arith.divf %div3A_15, %add3A_8 : vector<1000x1xf32>
    %mul3A_17 = vector.broadcast %div3A_16 : vector<1000x1xf32> to vector<1000x32xf32>
    %mul3A_18 = arith.mulf %get3A_5, %mul3A_17 : vector<1000x32xf32>
    %mul3A_19 = arith.mulf %mul3A_18, %mul3A_18 : vector<1000x32xf32>
    %reduce_sum3A_20 = arith.constant dense<0.000000e+00> : vector<1000xf32>
    %reduce_sum3A_21 = vector.multi_reduction <add>, %mul3A_19, %reduce_sum3A_20 [1] : vector<1000x32xf32> to vector<1000xf32>
    %broadcast_in_dim3A_22 = vector.shape_cast %reduce_sum3A_21 : vector<1000xf32> to vector<1000x1xf32>
    %get3A_23 = arith.constant 0 : index
    %get3A_24 = arith.constant 0 : index
    %get3A_25 = vector.load %arg2[%get3A_23, %get3A_24] : memref<32x64xf32, #tpu.memory_space<vmem>>, vector<32x64xf32>
    %mul3A_26 = arith.mulf %get3A_25, %get3A_25 : vector<32x64xf32>
    %reduce_sum3A_27 = arith.constant dense<0.000000e+00> : vector<64xf32>
    %reduce_sum3A_28 = vector.multi_reduction <add>, %mul3A_26, %reduce_sum3A_27 [0] : vector<32x64xf32> to vector<64xf32>
    %broadcast_in_dim3A_29 = vector.shape_cast %reduce_sum3A_28 : vector<64xf32> to vector<1x64xf32>
    %add3A_30 = vector.broadcast %broadcast_in_dim3A_22 : vector<1000x1xf32> to vector<1000x64xf32>
    %add3A_31 = vector.broadcast %broadcast_in_dim3A_29 : vector<1x64xf32> to vector<1000x64xf32>
    %add3A_32 = arith.addf %add3A_30, %add3A_31 : vector<1000x64xf32>
    %dot_general3A = arith.constant dense<0.000000e+00> : vector<1000x64xf32>
    %dot_general3A_33 = tpu.matmul %mul3A_18, %get3A_25, %dot_general3A {dimension_numbers = #tpu.dot_dimension_numbers<[1], [0], [0], [1], [0, 0, 1, 1], [], []>, transpose_lhs_hint = false} : vector<1000x32xf32>, vector<32x64xf32>, vector<1000x64xf32> -> vector<1000x64xf32>
    %mul3A_34 = arith.constant 2.000000e+00 : f32
    %mul3A_35 = vector.broadcast %mul3A_34 : f32 to vector<1000x64xf32>
    %mul3A_36 = arith.mulf %mul3A_35, %dot_general3A_33 : vector<1000x64xf32>
    %sub3A = arith.subf %add3A_32, %mul3A_36 : vector<1000x64xf32>
    %mul3A_37 = vector.broadcast %get3A_2 : f32 to vector<1000x1xf32>
    %mul3A_38 = arith.mulf %mul3A_37, %broadcast_in_dim3A_22 : vector<1000x1xf32>
    %add3A_39 = arith.constant 1.000000e+00 : f32
    %add3A_40 = vector.broadcast %add3A_39 : f32 to vector<1000x1xf32>
    %add3A_41 = arith.addf %add3A_40, %mul3A_38 : vector<1000x1xf32>
    %add3A_42 = arith.constant 9.99999974E-6 : f32
    %add3A_43 = vector.broadcast %add3A_42 : f32 to vector<1000x64xf32>
    %add3A_44 = arith.addf %sub3A, %add3A_43 : vector<1000x64xf32>
    %div3A_45 = vector.broadcast %add3A_41 : vector<1000x1xf32> to vector<1000x64xf32>
    %div3A_46 = arith.divf %div3A_45, %add3A_44 : vector<1000x64xf32>
    %add3A_47 = arith.constant 9.99999974E-6 : f32
    %add3A_48 = vector.broadcast %add3A_47 : f32 to vector<1000x64xf32>
    %add3A_49 = arith.addf %div3A_46, %add3A_48 : vector<1000x64xf32>
    %log3A = math.log %add3A_49 : vector<1000x64xf32>
    %mul3A_50 = arith.constant 3.100000e+01 : f32
    %mul3A_51 = vector.broadcast %mul3A_50 : f32 to vector<1000x64xf32>
    %mul3A_52 = arith.mulf %mul3A_51, %log3A : vector<1000x64xf32>
    %div3A_53 = arith.constant 2.000000e+00 : f32
    %div3A_54 = vector.broadcast %div3A_53 : f32 to vector<1000x64xf32>
    %div3A_55 = arith.divf %mul3A_52, %div3A_54 : vector<1000x64xf32>
    %exp3A = math.exp %div3A_55 : vector<1000x64xf32>
    %get3A_56 = arith.constant 0 : index
    %get3A_57 = arith.constant 0 : index
    %get3A_58 = vector.load %arg3[%get3A_56, %get3A_57] : memref<1x64xf32, #tpu.memory_space<vmem>>, vector<1x64xf32>
    %add3A_59 = vector.broadcast %get3A_58 : vector<1x64xf32> to vector<1000x64xf32>
    %add3A_60 = arith.addf %log3A, %add3A_59 : vector<1000x64xf32>
    %cos3A = math.cos %add3A_60 : vector<1000x64xf32>
    %mul3A_61 = arith.mulf %exp3A, %cos3A : vector<1000x64xf32>
    %swap3A = arith.constant 0 : index
    %swap3A_62 = arith.constant 0 : index
    %swap3A_63 = vector.load %arg5[%swap3A, %swap3A_62] : memref<1000x64xf32, #tpu.memory_space<vmem>>, vector<1000x64xf32>
    tpu.vector_store %arg5[%swap3A, %swap3A_62], %mul3A_61 {strides = array<i32>} : memref<1000x64xf32, #tpu.memory_space<vmem>>, vector<1000x64xf32>,
    return
  }
  func.func @transform_0(%arg0: i32) -> (i32, i32) {
    %c0_i32 = arith.constant 0 : i32
    %c0_i32_0 = arith.constant 0 : i32
    return %arg0, %c0_i32 : i32, i32
  }
  func.func @transform_1(%arg0: i32) -> (i32, i32) {
    %c0_i32 = arith.constant 0 : i32
    %c0_i32_0 = arith.constant 0 : i32
    %c0_i32_1 = arith.constant 0 : i32
    return %c0_i32, %c0_i32_0 : i32, i32
  }
  func.func @transform_2(%arg0: i32) -> (i32, i32) {
    %c0_i32 = arith.constant 0 : i32
    %c0_i32_0 = arith.constant 0 : i32
    %c0_i32_1 = arith.constant 0 : i32
    return %c0_i32, %c0_i32_0 : i32, i32
  }
  func.func @transform_3(%arg0: i32) -> (i32, i32) {
    %c0_i32 = arith.constant 0 : i32
    %c0_i32_0 = arith.constant 0 : i32
    %c0_i32_1 = arith.constant 0 : i32
    return %c0_i32, %c0_i32_0 : i32, i32
  }
  func.func @transform_4(%arg0: i32) -> (i32, i32) {
    %c0_i32 = arith.constant 0 : i32
    %c0_i32_0 = arith.constant 0 : i32
    return %arg0, %c0_i32 : i32, i32
  }
}

module attributes {stable_mosaic.version = 14 : i64} {
  func.func @_bce_body(%arg0: i32, %arg1: memref<1000x192xf32, #tpu.memory_space<vmem>>, %arg2: memref<192x64xf32, #tpu.memory_space<vmem>>, %arg3: memref<1x64xf32, #tpu.memory_space<vmem>>, %arg4: memref<64x1xf32, #tpu.memory_space<vmem>>, %arg5: memref<1x1xf32, #tpu.memory_space<vmem>>, %arg6: memref<1x1xf32, #tpu.memory_space<vmem>>) attributes {dimension_semantics = [#tpu.dimension_semantics<arbitrary>], iteration_bounds = array<i64: 20>, scalar_prefetch = 0 : i64, scratch_operands = 0 : i64, tpu.core_type = #tpu.core_type<tc>, window_params = [{transform_indices = @transform_0, window_bounds = array<i64: 1000, 192>}, {pipeline_mode = #tpu.pipeline_mode<synchronous>, transform_indices = @transform_1, window_bounds = array<i64: 192, 64>}, {pipeline_mode = #tpu.pipeline_mode<synchronous>, transform_indices = @transform_2, window_bounds = array<i64: 1, 64>}, {pipeline_mode = #tpu.pipeline_mode<synchronous>, transform_indices = @transform_3, window_bounds = array<i64: 64, 1>}, {pipeline_mode = #tpu.pipeline_mode<synchronous>, transform_indices = @transform_4, window_bounds = array<i64: 1, 1>}, {pipeline_mode = #tpu.pipeline_mode<synchronous>, transform_indices = @transform_5, window_bounds = array<i64: 1, 1>}]} {
    %get3A = arith.constant 0 : index
    %get3A_0 = arith.constant 0 : index
    %get3A_1 = vector.load %arg1[%get3A, %get3A_0] : memref<1000x192xf32, #tpu.memory_space<vmem>>, vector<1000x192xf32>
    %get3A_2 = arith.constant 0 : index
    %get3A_3 = arith.constant 0 : index
    %get3A_4 = vector.load %arg2[%get3A_2, %get3A_3] : memref<192x64xf32, #tpu.memory_space<vmem>>, vector<192x64xf32>
    %dot_general3A = arith.constant dense<0.000000e+00> : vector<1000x64xf32>
    %dot_general3A_5 = tpu.matmul %get3A_1, %get3A_4, %dot_general3A {dimension_numbers = #tpu.dot_dimension_numbers<[1], [0], [0], [1], [0, 0, 1, 1], [], []>, transpose_lhs_hint = false} : vector<1000x192xf32>, vector<192x64xf32>, vector<1000x64xf32> -> vector<1000x64xf32>
    %get3A_6 = arith.constant 0 : index
    %get3A_7 = arith.constant 0 : index
    %get3A_8 = vector.load %arg3[%get3A_6, %get3A_7] : memref<1x64xf32, #tpu.memory_space<vmem>>, vector<1x64xf32>
    %add3A = vector.broadcast %get3A_8 : vector<1x64xf32> to vector<1000x64xf32>
    %add3A_9 = arith.addf %dot_general3A_5, %add3A : vector<1000x64xf32>
    %max3A = arith.constant 0.000000e+00 : f32
    %max3A_10 = vector.broadcast %max3A : f32 to vector<1000x64xf32>
    %max3A_11 = arith.maximumf %add3A_9, %max3A_10 : vector<1000x64xf32>
    %get3A_12 = arith.constant 0 : index
    %get3A_13 = arith.constant 0 : index
    %get3A_14 = vector.load %arg4[%get3A_12, %get3A_13] : memref<64x1xf32, #tpu.memory_space<vmem>>, vector<64x1xf32>
    %dot_general3A_15 = arith.constant dense<0.000000e+00> : vector<1000x1xf32>
    %dot_general3A_16 = tpu.matmul %max3A_11, %get3A_14, %dot_general3A_15 {dimension_numbers = #tpu.dot_dimension_numbers<[1], [0], [0], [1], [0, 0, 1, 1], [], []>, transpose_lhs_hint = false} : vector<1000x64xf32>, vector<64x1xf32>, vector<1000x1xf32> -> vector<1000x1xf32>
    %get3A_17 = arith.constant 0 : index
    %get3A_18 = arith.constant 0 : index
    %get3A_19 = vector.load %arg5[%get3A_17, %get3A_18] : memref<1x1xf32, #tpu.memory_space<vmem>>, vector<1x1xf32>
    %get3A_20 = vector.extract %get3A_19[0, 0] : f32 from vector<1x1xf32>
    %add3A_21 = vector.broadcast %get3A_20 : f32 to vector<1000x1xf32>
    %add3A_22 = arith.addf %dot_general3A_16, %add3A_21 : vector<1000x1xf32>
    %neg3A = arith.constant 0.000000e+00 : f32
    %neg3A_23 = vector.broadcast %neg3A : f32 to vector<1000x1xf32>
    %neg3A_24 = arith.subf %neg3A_23, %add3A_22 : vector<1000x1xf32>
    %max3A_25 = arith.constant 0.000000e+00 : f32
    %max3A_26 = vector.broadcast %max3A_25 : f32 to vector<1000x1xf32>
    %max3A_27 = arith.maximumf %neg3A_24, %max3A_26 : vector<1000x1xf32>
    %abs3A = math.absf %neg3A_24 : vector<1000x1xf32>
    %neg3A_28 = arith.constant 0.000000e+00 : f32
    %neg3A_29 = vector.broadcast %neg3A_28 : f32 to vector<1000x1xf32>
    %neg3A_30 = arith.subf %neg3A_29, %abs3A : vector<1000x1xf32>
    %exp3A = math.exp %neg3A_30 : vector<1000x1xf32>
    %log1p3A = math.log1p %exp3A : vector<1000x1xf32>
    %add3A_31 = arith.addf %max3A_27, %log1p3A : vector<1000x1xf32>
    %eq3A = arith.constant 0 : i32
    %eq3A_32 = arith.cmpi eq, %arg0, %eq3A : i32
    %convert_element_type3A = arith.extui %eq3A_32 : i1 to i32
    %cond3A = arith.constant 0 : i32
    %cond3A_33 = arith.cmpi ne, %convert_element_type3A, %cond3A : i32
    scf.if %cond3A_33 {
      %broadcast_in_dim3A = arith.constant 0.000000e+00 : f32
      %broadcast_in_dim3A_44 = vector.broadcast %broadcast_in_dim3A : f32 to vector<1x1xf32>
      %swap3A_45 = arith.constant 0 : index
      %swap3A_46 = arith.constant 0 : index
      %swap3A_47 = vector.load %arg6[%swap3A_45, %swap3A_46] : memref<1x1xf32, #tpu.memory_space<vmem>>, vector<1x1xf32>
      tpu.vector_store %arg6[%swap3A_45, %swap3A_46], %broadcast_in_dim3A_44 {strides = array<i32>} : memref<1x1xf32, #tpu.memory_space<vmem>>, vector<1x1xf32>,
    } else {
    }
    %get3A_34 = arith.constant 0 : index
    %get3A_35 = arith.constant 0 : index
    %get3A_36 = vector.load %arg6[%get3A_34, %get3A_35] : memref<1x1xf32, #tpu.memory_space<vmem>>, vector<1x1xf32>
    %reduce_sum3A = vector.shape_cast %add3A_31 : vector<1000x1xf32> to vector<1x1000x1xf32>
    %reduce_sum3A_37 = arith.constant dense<0.000000e+00> : vector<1xf32>
    %reduce_sum3A_38 = vector.multi_reduction <add>, %reduce_sum3A, %reduce_sum3A_37 [1, 2] : vector<1x1000x1xf32> to vector<1xf32>
    %reduce_sum3A_39 = vector.shape_cast %reduce_sum3A_38 : vector<1xf32> to vector<1x1x1xf32>
    %reduce_sum3A_40 = vector.extract %reduce_sum3A_39[0, 0, 0] : f32 from vector<1x1x1xf32>
    %reshape3A = vector.broadcast %reduce_sum3A_40 : f32 to vector<1x1xf32>
    %add3A_41 = arith.addf %get3A_36, %reshape3A : vector<1x1xf32>
    %swap3A = arith.constant 0 : index
    %swap3A_42 = arith.constant 0 : index
    %swap3A_43 = vector.load %arg6[%swap3A, %swap3A_42] : memref<1x1xf32, #tpu.memory_space<vmem>>, vector<1x1xf32>
    tpu.vector_store %arg6[%swap3A, %swap3A_42], %add3A_41 {strides = array<i32>} : memref<1x1xf32, #tpu.memory_space<vmem>>, vector<1x1xf32>,
    return
  }
  func.func @transform_0(%arg0: i32) -> (i32, i32) {
    %c0_i32 = arith.constant 0 : i32
    %c0_i32_0 = arith.constant 0 : i32
    return %arg0, %c0_i32 : i32, i32
  }
  func.func @transform_1(%arg0: i32) -> (i32, i32) {
    %c0_i32 = arith.constant 0 : i32
    %c0_i32_0 = arith.constant 0 : i32
    %c0_i32_1 = arith.constant 0 : i32
    return %c0_i32, %c0_i32_0 : i32, i32
  }
  func.func @transform_2(%arg0: i32) -> (i32, i32) {
    %c0_i32 = arith.constant 0 : i32
    %c0_i32_0 = arith.constant 0 : i32
    %c0_i32_1 = arith.constant 0 : i32
    return %c0_i32, %c0_i32_0 : i32, i32
  }
  func.func @transform_3(%arg0: i32) -> (i32, i32) {
    %c0_i32 = arith.constant 0 : i32
    %c0_i32_0 = arith.constant 0 : i32
    %c0_i32_1 = arith.constant 0 : i32
    return %c0_i32, %c0_i32_0 : i32, i32
  }
  func.func @transform_4(%arg0: i32) -> (i32, i32) {
    %c0_i32 = arith.constant 0 : i32
    %c0_i32_0 = arith.constant 0 : i32
    %c0_i32_1 = arith.constant 0 : i32
    return %c0_i32, %c0_i32_0 : i32, i32
  }
  func.func @transform_5(%arg0: i32) -> (i32, i32) {
    %c0_i32 = arith.constant 0 : i32
    %c0_i32_0 = arith.constant 0 : i32
    %c0_i32_1 = arith.constant 0 : i32
    return %c0_i32, %c0_i32_0 : i32, i32
  }
}

module attributes {stable_mosaic.version = 14 : i64} {
  func.func @_bce_body(%arg0: i32, %arg1: memref<1000x192xf32, #tpu.memory_space<vmem>>, %arg2: memref<192x64xf32, #tpu.memory_space<vmem>>, %arg3: memref<1x64xf32, #tpu.memory_space<vmem>>, %arg4: memref<64x1xf32, #tpu.memory_space<vmem>>, %arg5: memref<1x1xf32, #tpu.memory_space<vmem>>, %arg6: memref<1x1xf32, #tpu.memory_space<vmem>>) attributes {dimension_semantics = [#tpu.dimension_semantics<arbitrary>], iteration_bounds = array<i64: 20>, scalar_prefetch = 0 : i64, scratch_operands = 0 : i64, tpu.core_type = #tpu.core_type<tc>, window_params = [{transform_indices = @transform_0, window_bounds = array<i64: 1000, 192>}, {pipeline_mode = #tpu.pipeline_mode<synchronous>, transform_indices = @transform_1, window_bounds = array<i64: 192, 64>}, {pipeline_mode = #tpu.pipeline_mode<synchronous>, transform_indices = @transform_2, window_bounds = array<i64: 1, 64>}, {pipeline_mode = #tpu.pipeline_mode<synchronous>, transform_indices = @transform_3, window_bounds = array<i64: 64, 1>}, {pipeline_mode = #tpu.pipeline_mode<synchronous>, transform_indices = @transform_4, window_bounds = array<i64: 1, 1>}, {pipeline_mode = #tpu.pipeline_mode<synchronous>, transform_indices = @transform_5, window_bounds = array<i64: 1, 1>}]} {
    %get3A = arith.constant 0 : index
    %get3A_0 = arith.constant 0 : index
    %get3A_1 = vector.load %arg1[%get3A, %get3A_0] : memref<1000x192xf32, #tpu.memory_space<vmem>>, vector<1000x192xf32>
    %get3A_2 = arith.constant 0 : index
    %get3A_3 = arith.constant 0 : index
    %get3A_4 = vector.load %arg2[%get3A_2, %get3A_3] : memref<192x64xf32, #tpu.memory_space<vmem>>, vector<192x64xf32>
    %dot_general3A = arith.constant dense<0.000000e+00> : vector<1000x64xf32>
    %dot_general3A_5 = tpu.matmul %get3A_1, %get3A_4, %dot_general3A {dimension_numbers = #tpu.dot_dimension_numbers<[1], [0], [0], [1], [0, 0, 1, 1], [], []>, transpose_lhs_hint = false} : vector<1000x192xf32>, vector<192x64xf32>, vector<1000x64xf32> -> vector<1000x64xf32>
    %get3A_6 = arith.constant 0 : index
    %get3A_7 = arith.constant 0 : index
    %get3A_8 = vector.load %arg3[%get3A_6, %get3A_7] : memref<1x64xf32, #tpu.memory_space<vmem>>, vector<1x64xf32>
    %add3A = vector.broadcast %get3A_8 : vector<1x64xf32> to vector<1000x64xf32>
    %add3A_9 = arith.addf %dot_general3A_5, %add3A : vector<1000x64xf32>
    %max3A = arith.constant 0.000000e+00 : f32
    %max3A_10 = vector.broadcast %max3A : f32 to vector<1000x64xf32>
    %max3A_11 = arith.maximumf %add3A_9, %max3A_10 : vector<1000x64xf32>
    %get3A_12 = arith.constant 0 : index
    %get3A_13 = arith.constant 0 : index
    %get3A_14 = vector.load %arg4[%get3A_12, %get3A_13] : memref<64x1xf32, #tpu.memory_space<vmem>>, vector<64x1xf32>
    %dot_general3A_15 = arith.constant dense<0.000000e+00> : vector<1000x1xf32>
    %dot_general3A_16 = tpu.matmul %max3A_11, %get3A_14, %dot_general3A_15 {dimension_numbers = #tpu.dot_dimension_numbers<[1], [0], [0], [1], [0, 0, 1, 1], [], []>, transpose_lhs_hint = false} : vector<1000x64xf32>, vector<64x1xf32>, vector<1000x1xf32> -> vector<1000x1xf32>
    %get3A_17 = arith.constant 0 : index
    %get3A_18 = arith.constant 0 : index
    %get3A_19 = vector.load %arg5[%get3A_17, %get3A_18] : memref<1x1xf32, #tpu.memory_space<vmem>>, vector<1x1xf32>
    %get3A_20 = vector.extract %get3A_19[0, 0] : f32 from vector<1x1xf32>
    %add3A_21 = vector.broadcast %get3A_20 : f32 to vector<1000x1xf32>
    %add3A_22 = arith.addf %dot_general3A_16, %add3A_21 : vector<1000x1xf32>
    %max3A_23 = arith.constant 0.000000e+00 : f32
    %max3A_24 = vector.broadcast %max3A_23 : f32 to vector<1000x1xf32>
    %max3A_25 = arith.maximumf %add3A_22, %max3A_24 : vector<1000x1xf32>
    %abs3A = math.absf %add3A_22 : vector<1000x1xf32>
    %neg3A = arith.constant 0.000000e+00 : f32
    %neg3A_26 = vector.broadcast %neg3A : f32 to vector<1000x1xf32>
    %neg3A_27 = arith.subf %neg3A_26, %abs3A : vector<1000x1xf32>
    %exp3A = math.exp %neg3A_27 : vector<1000x1xf32>
    %log1p3A = math.log1p %exp3A : vector<1000x1xf32>
    %add3A_28 = arith.addf %max3A_25, %log1p3A : vector<1000x1xf32>
    %eq3A = arith.constant 0 : i32
    %eq3A_29 = arith.cmpi eq, %arg0, %eq3A : i32
    %convert_element_type3A = arith.extui %eq3A_29 : i1 to i32
    %cond3A = arith.constant 0 : i32
    %cond3A_30 = arith.cmpi ne, %convert_element_type3A, %cond3A : i32
    scf.if %cond3A_30 {
      %broadcast_in_dim3A = arith.constant 0.000000e+00 : f32
      %broadcast_in_dim3A_41 = vector.broadcast %broadcast_in_dim3A : f32 to vector<1x1xf32>
      %swap3A_42 = arith.constant 0 : index
      %swap3A_43 = arith.constant 0 : index
      %swap3A_44 = vector.load %arg6[%swap3A_42, %swap3A_43] : memref<1x1xf32, #tpu.memory_space<vmem>>, vector<1x1xf32>
      tpu.vector_store %arg6[%swap3A_42, %swap3A_43], %broadcast_in_dim3A_41 {strides = array<i32>} : memref<1x1xf32, #tpu.memory_space<vmem>>, vector<1x1xf32>,
    } else {
    }
    %get3A_31 = arith.constant 0 : index
    %get3A_32 = arith.constant 0 : index
    %get3A_33 = vector.load %arg6[%get3A_31, %get3A_32] : memref<1x1xf32, #tpu.memory_space<vmem>>, vector<1x1xf32>
    %reduce_sum3A = vector.shape_cast %add3A_28 : vector<1000x1xf32> to vector<1x1000x1xf32>
    %reduce_sum3A_34 = arith.constant dense<0.000000e+00> : vector<1xf32>
    %reduce_sum3A_35 = vector.multi_reduction <add>, %reduce_sum3A, %reduce_sum3A_34 [1, 2] : vector<1x1000x1xf32> to vector<1xf32>
    %reduce_sum3A_36 = vector.shape_cast %reduce_sum3A_35 : vector<1xf32> to vector<1x1x1xf32>
    %reduce_sum3A_37 = vector.extract %reduce_sum3A_36[0, 0, 0] : f32 from vector<1x1x1xf32>
    %reshape3A = vector.broadcast %reduce_sum3A_37 : f32 to vector<1x1xf32>
    %add3A_38 = arith.addf %get3A_33, %reshape3A : vector<1x1xf32>
    %swap3A = arith.constant 0 : index
    %swap3A_39 = arith.constant 0 : index
    %swap3A_40 = vector.load %arg6[%swap3A, %swap3A_39] : memref<1x1xf32, #tpu.memory_space<vmem>>, vector<1x1xf32>
    tpu.vector_store %arg6[%swap3A, %swap3A_39], %add3A_38 {strides = array<i32>} : memref<1x1xf32, #tpu.memory_space<vmem>>, vector<1x1xf32>,
    return
  }
  func.func @transform_0(%arg0: i32) -> (i32, i32) {
    %c0_i32 = arith.constant 0 : i32
    %c0_i32_0 = arith.constant 0 : i32
    return %arg0, %c0_i32 : i32, i32
  }
  func.func @transform_1(%arg0: i32) -> (i32, i32) {
    %c0_i32 = arith.constant 0 : i32
    %c0_i32_0 = arith.constant 0 : i32
    %c0_i32_1 = arith.constant 0 : i32
    return %c0_i32, %c0_i32_0 : i32, i32
  }
  func.func @transform_2(%arg0: i32) -> (i32, i32) {
    %c0_i32 = arith.constant 0 : i32
    %c0_i32_0 = arith.constant 0 : i32
    %c0_i32_1 = arith.constant 0 : i32
    return %c0_i32, %c0_i32_0 : i32, i32
  }
  func.func @transform_3(%arg0: i32) -> (i32, i32) {
    %c0_i32 = arith.constant 0 : i32
    %c0_i32_0 = arith.constant 0 : i32
    %c0_i32_1 = arith.constant 0 : i32
    return %c0_i32, %c0_i32_0 : i32, i32
  }
  func.func @transform_4(%arg0: i32) -> (i32, i32) {
    %c0_i32 = arith.constant 0 : i32
    %c0_i32_0 = arith.constant 0 : i32
    %c0_i32_1 = arith.constant 0 : i32
    return %c0_i32, %c0_i32_0 : i32, i32
  }
  func.func @transform_5(%arg0: i32) -> (i32, i32) {
    %c0_i32 = arith.constant 0 : i32
    %c0_i32_0 = arith.constant 0 : i32
    %c0_i32_1 = arith.constant 0 : i32
    return %c0_i32, %c0_i32_0 : i32, i32
  }
}

module attributes {stable_mosaic.version = 14 : i64} {
  func.func @_mm_body(%arg0: i32, %arg1: memref<1000x256xf32, #tpu.memory_space<vmem>>, %arg2: memref<256x256xf32, #tpu.memory_space<vmem>>, %arg3: memref<1x256xf32, #tpu.memory_space<vmem>>, %arg4: memref<1000x256xf32, #tpu.memory_space<vmem>>) attributes {dimension_semantics = [#tpu.dimension_semantics<arbitrary>], iteration_bounds = array<i64: 10>, scalar_prefetch = 0 : i64, scratch_operands = 0 : i64, tpu.core_type = #tpu.core_type<tc>, window_params = [{transform_indices = @transform_0, window_bounds = array<i64: 1000, 256>}, {pipeline_mode = #tpu.pipeline_mode<synchronous>, transform_indices = @transform_1, window_bounds = array<i64: 256, 256>}, {pipeline_mode = #tpu.pipeline_mode<synchronous>, transform_indices = @transform_2, window_bounds = array<i64: 1, 256>}, {transform_indices = @transform_3, window_bounds = array<i64: 1000, 256>}]} {
    %get3A = arith.constant 0 : index
    %get3A_0 = arith.constant 0 : index
    %get3A_1 = vector.load %arg1[%get3A, %get3A_0] : memref<1000x256xf32, #tpu.memory_space<vmem>>, vector<1000x256xf32>
    %get3A_2 = arith.constant 0 : index
    %get3A_3 = arith.constant 0 : index
    %get3A_4 = vector.load %arg2[%get3A_2, %get3A_3] : memref<256x256xf32, #tpu.memory_space<vmem>>, vector<256x256xf32>
    %dot_general3A = arith.constant dense<0.000000e+00> : vector<1000x256xf32>
    %dot_general3A_5 = tpu.matmul %get3A_1, %get3A_4, %dot_general3A {dimension_numbers = #tpu.dot_dimension_numbers<[1], [0], [0], [1], [0, 0, 1, 1], [], []>, transpose_lhs_hint = false} : vector<1000x256xf32>, vector<256x256xf32>, vector<1000x256xf32> -> vector<1000x256xf32>
    %get3A_6 = arith.constant 0 : index
    %get3A_7 = arith.constant 0 : index
    %get3A_8 = vector.load %arg3[%get3A_6, %get3A_7] : memref<1x256xf32, #tpu.memory_space<vmem>>, vector<1x256xf32>
    %add3A = vector.broadcast %get3A_8 : vector<1x256xf32> to vector<1000x256xf32>
    %add3A_9 = arith.addf %dot_general3A_5, %add3A : vector<1000x256xf32>
    %swap3A = arith.constant 0 : index
    %swap3A_10 = arith.constant 0 : index
    %swap3A_11 = vector.load %arg4[%swap3A, %swap3A_10] : memref<1000x256xf32, #tpu.memory_space<vmem>>, vector<1000x256xf32>
    tpu.vector_store %arg4[%swap3A, %swap3A_10], %add3A_9 {strides = array<i32>} : memref<1000x256xf32, #tpu.memory_space<vmem>>, vector<1000x256xf32>,
    return
  }
  func.func @transform_0(%arg0: i32) -> (i32, i32) {
    %c0_i32 = arith.constant 0 : i32
    %c0_i32_0 = arith.constant 0 : i32
    return %arg0, %c0_i32 : i32, i32
  }
  func.func @transform_1(%arg0: i32) -> (i32, i32) {
    %c0_i32 = arith.constant 0 : i32
    %c0_i32_0 = arith.constant 0 : i32
    %c0_i32_1 = arith.constant 0 : i32
    return %c0_i32, %c0_i32_0 : i32, i32
  }
  func.func @transform_2(%arg0: i32) -> (i32, i32) {
    %c0_i32 = arith.constant 0 : i32
    %c0_i32_0 = arith.constant 0 : i32
    %c0_i32_1 = arith.constant 0 : i32
    return %c0_i32, %c0_i32_0 : i32, i32
  }
  func.func @transform_3(%arg0: i32) -> (i32, i32) {
    %c0_i32 = arith.constant 0 : i32
    %c0_i32_0 = arith.constant 0 : i32
    return %arg0, %c0_i32 : i32, i32
  }
}

module attributes {stable_mosaic.version = 14 : i64} {
  func.func @_spmm_fused_body(%arg0: i32, %arg1: memref<400x10000xf32, #tpu.memory_space<vmem>>, %arg2: memref<10000x256xf32, #tpu.memory_space<vmem>>, %arg3: memref<256x128xf32, #tpu.memory_space<vmem>>, %arg4: memref<1x128xf32, #tpu.memory_space<vmem>>, %arg5: memref<400x128xf32, #tpu.memory_space<vmem>>) attributes {dimension_semantics = [#tpu.dimension_semantics<arbitrary>], iteration_bounds = array<i64: 25>, scalar_prefetch = 0 : i64, scratch_operands = 0 : i64, tpu.core_type = #tpu.core_type<tc>, window_params = [{transform_indices = @transform_0, window_bounds = array<i64: 400, 10000>}, {pipeline_mode = #tpu.pipeline_mode<synchronous>, transform_indices = @transform_1, window_bounds = array<i64: 10000, 256>}, {pipeline_mode = #tpu.pipeline_mode<synchronous>, transform_indices = @transform_2, window_bounds = array<i64: 256, 128>}, {pipeline_mode = #tpu.pipeline_mode<synchronous>, transform_indices = @transform_3, window_bounds = array<i64: 1, 128>}, {transform_indices = @transform_4, window_bounds = array<i64: 400, 128>}]} {
    %get3A = arith.constant 0 : index
    %get3A_0 = arith.constant 0 : index
    %get3A_1 = vector.load %arg1[%get3A, %get3A_0] : memref<400x10000xf32, #tpu.memory_space<vmem>>, vector<400x10000xf32>
    %get3A_2 = arith.constant 0 : index
    %get3A_3 = arith.constant 0 : index
    %get3A_4 = vector.load %arg2[%get3A_2, %get3A_3] : memref<10000x256xf32, #tpu.memory_space<vmem>>, vector<10000x256xf32>
    %dot_general3A = arith.constant dense<0.000000e+00> : vector<400x256xf32>
    %dot_general3A_5 = tpu.matmul %get3A_1, %get3A_4, %dot_general3A {dimension_numbers = #tpu.dot_dimension_numbers<[1], [0], [0], [1], [0, 0, 1, 1], [], []>, transpose_lhs_hint = false} : vector<400x10000xf32>, vector<10000x256xf32>, vector<400x256xf32> -> vector<400x256xf32>
    %max3A = arith.constant 0.000000e+00 : f32
    %max3A_6 = vector.broadcast %max3A : f32 to vector<400x256xf32>
    %max3A_7 = arith.maximumf %dot_general3A_5, %max3A_6 : vector<400x256xf32>
    %get3A_8 = arith.constant 0 : index
    %get3A_9 = arith.constant 0 : index
    %get3A_10 = vector.load %arg3[%get3A_8, %get3A_9] : memref<256x128xf32, #tpu.memory_space<vmem>>, vector<256x128xf32>
    %dot_general3A_11 = arith.constant dense<0.000000e+00> : vector<400x128xf32>
    %dot_general3A_12 = tpu.matmul %max3A_7, %get3A_10, %dot_general3A_11 {dimension_numbers = #tpu.dot_dimension_numbers<[1], [0], [0], [1], [0, 0, 1, 1], [], []>, transpose_lhs_hint = false} : vector<400x256xf32>, vector<256x128xf32>, vector<400x128xf32> -> vector<400x128xf32>
    %get3A_13 = arith.constant 0 : index
    %get3A_14 = arith.constant 0 : index
    %get3A_15 = vector.load %arg4[%get3A_13, %get3A_14] : memref<1x128xf32, #tpu.memory_space<vmem>>, vector<1x128xf32>
    %add3A = vector.broadcast %get3A_15 : vector<1x128xf32> to vector<400x128xf32>
    %add3A_16 = arith.addf %dot_general3A_12, %add3A : vector<400x128xf32>
    %swap3A = arith.constant 0 : index
    %swap3A_17 = arith.constant 0 : index
    %swap3A_18 = vector.load %arg5[%swap3A, %swap3A_17] : memref<400x128xf32, #tpu.memory_space<vmem>>, vector<400x128xf32>
    tpu.vector_store %arg5[%swap3A, %swap3A_17], %add3A_16 {strides = array<i32>} : memref<400x128xf32, #tpu.memory_space<vmem>>, vector<400x128xf32>,
    return
  }
  func.func @transform_0(%arg0: i32) -> (i32, i32) {
    %c0_i32 = arith.constant 0 : i32
    %c0_i32_0 = arith.constant 0 : i32
    return %arg0, %c0_i32 : i32, i32
  }
  func.func @transform_1(%arg0: i32) -> (i32, i32) {
    %c0_i32 = arith.constant 0 : i32
    %c0_i32_0 = arith.constant 0 : i32
    %c0_i32_1 = arith.constant 0 : i32
    return %c0_i32, %c0_i32_0 : i32, i32
  }
  func.func @transform_2(%arg0: i32) -> (i32, i32) {
    %c0_i32 = arith.constant 0 : i32
    %c0_i32_0 = arith.constant 0 : i32
    %c0_i32_1 = arith.constant 0 : i32
    return %c0_i32, %c0_i32_0 : i32, i32
  }
  func.func @transform_3(%arg0: i32) -> (i32, i32) {
    %c0_i32 = arith.constant 0 : i32
    %c0_i32_0 = arith.constant 0 : i32
    %c0_i32_1 = arith.constant 0 : i32
    return %c0_i32, %c0_i32_0 : i32, i32
  }
  func.func @transform_4(%arg0: i32) -> (i32, i32) {
    %c0_i32 = arith.constant 0 : i32
    %c0_i32_0 = arith.constant 0 : i32
    return %arg0, %c0_i32 : i32, i32
  }
}

module attributes {stable_mosaic.version = 14 : i64} {
  func.func @_spmm_body(%arg0: i32, %arg1: memref<400x10000xf32, #tpu.memory_space<vmem>>, %arg2: memref<10000x128xf32, #tpu.memory_space<vmem>>, %arg3: memref<400x128xf32, #tpu.memory_space<vmem>>) attributes {dimension_semantics = [#tpu.dimension_semantics<arbitrary>], iteration_bounds = array<i64: 25>, scalar_prefetch = 0 : i64, scratch_operands = 0 : i64, tpu.core_type = #tpu.core_type<tc>, window_params = [{transform_indices = @transform_0, window_bounds = array<i64: 400, 10000>}, {pipeline_mode = #tpu.pipeline_mode<synchronous>, transform_indices = @transform_1, window_bounds = array<i64: 10000, 128>}, {transform_indices = @transform_2, window_bounds = array<i64: 400, 128>}]} {
    %get3A = arith.constant 0 : index
    %get3A_0 = arith.constant 0 : index
    %get3A_1 = vector.load %arg1[%get3A, %get3A_0] : memref<400x10000xf32, #tpu.memory_space<vmem>>, vector<400x10000xf32>
    %get3A_2 = arith.constant 0 : index
    %get3A_3 = arith.constant 0 : index
    %get3A_4 = vector.load %arg2[%get3A_2, %get3A_3] : memref<10000x128xf32, #tpu.memory_space<vmem>>, vector<10000x128xf32>
    %dot_general3A = arith.constant dense<0.000000e+00> : vector<400x128xf32>
    %dot_general3A_5 = tpu.matmul %get3A_1, %get3A_4, %dot_general3A {dimension_numbers = #tpu.dot_dimension_numbers<[1], [0], [0], [1], [0, 0, 1, 1], [], []>, transpose_lhs_hint = false} : vector<400x10000xf32>, vector<10000x128xf32>, vector<400x128xf32> -> vector<400x128xf32>
    %swap3A = arith.constant 0 : index
    %swap3A_6 = arith.constant 0 : index
    %swap3A_7 = vector.load %arg3[%swap3A, %swap3A_6] : memref<400x128xf32, #tpu.memory_space<vmem>>, vector<400x128xf32>
    tpu.vector_store %arg3[%swap3A, %swap3A_6], %dot_general3A_5 {strides = array<i32>} : memref<400x128xf32, #tpu.memory_space<vmem>>, vector<400x128xf32>,
    return
  }
  func.func @transform_0(%arg0: i32) -> (i32, i32) {
    %c0_i32 = arith.constant 0 : i32
    %c0_i32_0 = arith.constant 0 : i32
    return %arg0, %c0_i32 : i32, i32
  }
  func.func @transform_1(%arg0: i32) -> (i32, i32) {
    %c0_i32 = arith.constant 0 : i32
    %c0_i32_0 = arith.constant 0 : i32
    %c0_i32_1 = arith.constant 0 : i32
    return %c0_i32, %c0_i32_0 : i32, i32
  }
  func.func @transform_2(%arg0: i32) -> (i32, i32) {
    %c0_i32 = arith.constant 0 : i32
    %c0_i32_0 = arith.constant 0 : i32
    return %arg0, %c0_i32 : i32, i32
  }
}

module attributes {stable_mosaic.version = 14 : i64} {
  func.func @_cl_body(%arg0: i32, %arg1: memref<400x128xf32, #tpu.memory_space<vmem>>, %arg2: memref<128x10000xf32, #tpu.memory_space<vmem>>, %arg3: memref<1x10000xf32, #tpu.memory_space<vmem>>, %arg4: memref<1x1x400xf32, #tpu.memory_space<vmem>>, %arg5: memref<1x1x400xf32, #tpu.memory_space<vmem>>) attributes {dimension_semantics = [#tpu.dimension_semantics<arbitrary>], iteration_bounds = array<i64: 25>, scalar_prefetch = 0 : i64, scratch_operands = 0 : i64, tpu.core_type = #tpu.core_type<tc>, window_params = [{transform_indices = @transform_0, window_bounds = array<i64: 400, 128>}, {pipeline_mode = #tpu.pipeline_mode<synchronous>, transform_indices = @transform_1, window_bounds = array<i64: 128, 10000>}, {pipeline_mode = #tpu.pipeline_mode<synchronous>, transform_indices = @transform_2, window_bounds = array<i64: 1, 10000>}, {transform_indices = @transform_3, window_bounds = array<i64: 1, 1, 400>}, {transform_indices = @transform_4, window_bounds = array<i64: 1, 1, 400>}]} {
    %get3A = arith.constant 0 : index
    %get3A_0 = arith.constant 0 : index
    %get3A_1 = vector.load %arg1[%get3A, %get3A_0] : memref<400x128xf32, #tpu.memory_space<vmem>>, vector<400x128xf32>
    %get3A_2 = arith.constant 0 : index
    %get3A_3 = arith.constant 0 : index
    %get3A_4 = vector.load %arg2[%get3A_2, %get3A_3] : memref<128x10000xf32, #tpu.memory_space<vmem>>, vector<128x10000xf32>
    %mul3A = arith.mulf %get3A_1, %get3A_1 : vector<400x128xf32>
    %reduce_sum3A = arith.constant dense<0.000000e+00> : vector<400xf32>
    %reduce_sum3A_5 = vector.multi_reduction <add>, %mul3A, %reduce_sum3A [1] : vector<400x128xf32> to vector<400xf32>
    %broadcast_in_dim3A = vector.shape_cast %reduce_sum3A_5 : vector<400xf32> to vector<400x1xf32>
    %sqrt3A = math.sqrt %broadcast_in_dim3A : vector<400x1xf32>
    %mul3A_6 = arith.mulf %get3A_4, %get3A_4 : vector<128x10000xf32>
    %reduce_sum3A_7 = arith.constant dense<0.000000e+00> : vector<10000xf32>
    %reduce_sum3A_8 = vector.multi_reduction <add>, %mul3A_6, %reduce_sum3A_7 [0] : vector<128x10000xf32> to vector<10000xf32>
    %broadcast_in_dim3A_9 = vector.shape_cast %reduce_sum3A_8 : vector<10000xf32> to vector<1x10000xf32>
    %sqrt3A_10 = math.sqrt %broadcast_in_dim3A_9 : vector<1x10000xf32>
    %dot_general3A = arith.constant dense<0.000000e+00> : vector<400x10000xf32>
    %dot_general3A_11 = tpu.matmul %get3A_1, %get3A_4, %dot_general3A {dimension_numbers = #tpu.dot_dimension_numbers<[1], [0], [0], [1], [0, 0, 1, 1], [], []>, transpose_lhs_hint = false} : vector<400x128xf32>, vector<128x10000xf32>, vector<400x10000xf32> -> vector<400x10000xf32>
    %mul3A_12 = vector.broadcast %sqrt3A : vector<400x1xf32> to vector<400x10000xf32>
    %mul3A_13 = vector.broadcast %sqrt3A_10 : vector<1x10000xf32> to vector<400x10000xf32>
    %mul3A_14 = arith.mulf %mul3A_12, %mul3A_13 : vector<400x10000xf32>
    %add3A = arith.constant 9.99999974E-6 : f32
    %add3A_15 = vector.broadcast %add3A : f32 to vector<400x10000xf32>
    %add3A_16 = arith.addf %mul3A_14, %add3A_15 : vector<400x10000xf32>
    %div3A = arith.divf %dot_general3A_11, %add3A_16 : vector<400x10000xf32>
    %div3A_17 = arith.constant 5.000000e-01 : f32
    %div3A_18 = vector.broadcast %div3A_17 : f32 to vector<400x10000xf32>
    %div3A_19 = arith.divf %div3A, %div3A_18 : vector<400x10000xf32>
    %exp3A = math.exp %div3A_19 : vector<400x10000xf32>
    %eq3A = arith.constant 0 : i32
    %eq3A_20 = arith.cmpi eq, %arg0, %eq3A : i32
    %convert_element_type3A = arith.extui %eq3A_20 : i1 to i32
    %cond3A = arith.constant 0 : i32
    %cond3A_21 = arith.cmpi ne, %convert_element_type3A, %cond3A : i32
    scf.if %cond3A_21 {
      %broadcast_in_dim3A_54 = arith.constant 0.000000e+00 : f32
      %broadcast_in_dim3A_55 = vector.broadcast %broadcast_in_dim3A_54 : f32 to vector<1x10000xf32>
      %swap3A_56 = arith.constant 0 : index
      %swap3A_57 = arith.constant 0 : index
      %swap3A_58 = vector.load %arg3[%swap3A_56, %swap3A_57] : memref<1x10000xf32, #tpu.memory_space<vmem>>, vector<1x10000xf32>
      tpu.vector_store %arg3[%swap3A_56, %swap3A_57], %broadcast_in_dim3A_55 {strides = array<i32>} : memref<1x10000xf32, #tpu.memory_space<vmem>>, vector<1x10000xf32>,
    } else {
    }
    %get3A_22 = arith.constant 0 : index
    %get3A_23 = arith.constant 0 : index
    %get3A_24 = vector.load %arg3[%get3A_22, %get3A_23] : memref<1x10000xf32, #tpu.memory_space<vmem>>, vector<1x10000xf32>
    %reduce_sum3A_25 = arith.constant dense<0.000000e+00> : vector<10000xf32>
    %reduce_sum3A_26 = vector.multi_reduction <add>, %exp3A, %reduce_sum3A_25 [0] : vector<400x10000xf32> to vector<10000xf32>
    %broadcast_in_dim3A_27 = vector.shape_cast %reduce_sum3A_26 : vector<10000xf32> to vector<1x10000xf32>
    %add3A_28 = arith.addf %get3A_24, %broadcast_in_dim3A_27 : vector<1x10000xf32>
    %swap3A = arith.constant 0 : index
    %swap3A_29 = arith.constant 0 : index
    %swap3A_30 = vector.load %arg3[%swap3A, %swap3A_29] : memref<1x10000xf32, #tpu.memory_space<vmem>>, vector<1x10000xf32>
    tpu.vector_store %arg3[%swap3A, %swap3A_29], %add3A_28 {strides = array<i32>} : memref<1x10000xf32, #tpu.memory_space<vmem>>, vector<1x10000xf32>,
    %reduce_sum3A_31 = arith.constant dense<0.000000e+00> : vector<400xf32>
    %reduce_sum3A_32 = vector.multi_reduction <add>, %exp3A, %reduce_sum3A_31 [1] : vector<400x10000xf32> to vector<400xf32>
    %swap3A_33 = arith.constant 0 : index
    %swap3A_34 = arith.constant 0 : index
    %swap3A_35 = arith.constant 0 : index
    %swap3A_36 = vector.load %arg4[%swap3A_33, %swap3A_34, %swap3A_35] : memref<1x1x400xf32, #tpu.memory_space<vmem>>, vector<1x1x400xf32>
    %swap3A_37 = vector.shape_cast %swap3A_36 : vector<1x1x400xf32> to vector<400xf32>
    %swap3A_38 = vector.shape_cast %reduce_sum3A_32 : vector<400xf32> to vector<1x1x400xf32>
    tpu.vector_store %arg4[%swap3A_33, %swap3A_34, %swap3A_35], %swap3A_38 {strides = array<i32>} : memref<1x1x400xf32, #tpu.memory_space<vmem>>, vector<1x1x400xf32>,
    %iota3A = tpu.iota {dimensions = array<i32: 0>} : vector<400x10000xi32>
    %iota3A_39 = tpu.iota {dimensions = array<i32: 1>} : vector<400x10000xi32>
    %mul3A_40 = arith.constant 400 : i32
    %mul3A_41 = arith.muli %arg0, %mul3A_40 : i32
    %add3A_42 = vector.broadcast %mul3A_41 : i32 to vector<400x10000xi32>
    %add3A_43 = arith.addi %iota3A, %add3A_42 : vector<400x10000xi32>
    %eq3A_44 = arith.cmpi eq, %iota3A_39, %add3A_43 : vector<400x10000xi32>
    %jit3A = arith.constant 0.000000e+00 : f32
    %broadcast_in_dim3A_45 = vector.broadcast %jit3A : f32 to vector<400x10000xf32>
    %select_n3A = arith.select %eq3A_44, %exp3A, %broadcast_in_dim3A_45 : vector<400x10000xi1>, vector<400x10000xf32>
    %reduce_sum3A_46 = arith.constant dense<0.000000e+00> : vector<400xf32>
    %reduce_sum3A_47 = vector.multi_reduction <add>, %select_n3A, %reduce_sum3A_46 [1] : vector<400x10000xf32> to vector<400xf32>
    %swap3A_48 = arith.constant 0 : index
    %swap3A_49 = arith.constant 0 : index
    %swap3A_50 = arith.constant 0 : index
    %swap3A_51 = vector.load %arg5[%swap3A_48, %swap3A_49, %swap3A_50] : memref<1x1x400xf32, #tpu.memory_space<vmem>>, vector<1x1x400xf32>
    %swap3A_52 = vector.shape_cast %swap3A_51 : vector<1x1x400xf32> to vector<400xf32>
    %swap3A_53 = vector.shape_cast %reduce_sum3A_47 : vector<400xf32> to vector<1x1x400xf32>
    tpu.vector_store %arg5[%swap3A_48, %swap3A_49, %swap3A_50], %swap3A_53 {strides = array<i32>} : memref<1x1x400xf32, #tpu.memory_space<vmem>>, vector<1x1x400xf32>,
    return
  }
  func.func @transform_0(%arg0: i32) -> (i32, i32) {
    %c0_i32 = arith.constant 0 : i32
    %c0_i32_0 = arith.constant 0 : i32
    return %arg0, %c0_i32 : i32, i32
  }
  func.func @transform_1(%arg0: i32) -> (i32, i32) {
    %c0_i32 = arith.constant 0 : i32
    %c0_i32_0 = arith.constant 0 : i32
    %c0_i32_1 = arith.constant 0 : i32
    return %c0_i32, %c0_i32_0 : i32, i32
  }
  func.func @transform_2(%arg0: i32) -> (i32, i32) {
    %c0_i32 = arith.constant 0 : i32
    %c0_i32_0 = arith.constant 0 : i32
    %c0_i32_1 = arith.constant 0 : i32
    return %c0_i32, %c0_i32_0 : i32, i32
  }
  func.func @transform_3(%arg0: i32) -> (i32, i32, i32) {
    %c0_i32 = arith.constant 0 : i32
    %c0_i32_0 = arith.constant 0 : i32
    %c0_i32_1 = arith.constant 0 : i32
    return %arg0, %c0_i32, %c0_i32_0 : i32, i32, i32
  }
  func.func @transform_4(%arg0: i32) -> (i32, i32, i32) {
    %c0_i32 = arith.constant 0 : i32
    %c0_i32_0 = arith.constant 0 : i32
    %c0_i32_1 = arith.constant 0 : i32
    return %arg0, %c0_i32, %c0_i32_0 : i32, i32, i32
  }
}

module attributes {stable_mosaic.version = 14 : i64} {
  func.func @_ln_body(%arg0: i32, %arg1: memref<1000x128xf32, #tpu.memory_space<vmem>>, %arg2: memref<1000x128xf32, #tpu.memory_space<vmem>>, %arg3: memref<1000x128xf32, #tpu.memory_space<vmem>>, %arg4: memref<1x384xf32, #tpu.memory_space<vmem>>, %arg5: memref<1x384xf32, #tpu.memory_space<vmem>>, %arg6: memref<1000x384xf32, #tpu.memory_space<vmem>>) attributes {dimension_semantics = [#tpu.dimension_semantics<arbitrary>], iteration_bounds = array<i64: 10>, scalar_prefetch = 0 : i64, scratch_operands = 0 : i64, tpu.core_type = #tpu.core_type<tc>, window_params = [{transform_indices = @transform_0, window_bounds = array<i64: 1000, 128>}, {transform_indices = @transform_1, window_bounds = array<i64: 1000, 128>}, {transform_indices = @transform_2, window_bounds = array<i64: 1000, 128>}, {pipeline_mode = #tpu.pipeline_mode<synchronous>, transform_indices = @transform_3, window_bounds = array<i64: 1, 384>}, {pipeline_mode = #tpu.pipeline_mode<synchronous>, transform_indices = @transform_4, window_bounds = array<i64: 1, 384>}, {transform_indices = @transform_5, window_bounds = array<i64: 1000, 384>}]} {
    %get3A = arith.constant 0 : index
    %get3A_0 = arith.constant 0 : index
    %get3A_1 = vector.load %arg1[%get3A, %get3A_0] : memref<1000x128xf32, #tpu.memory_space<vmem>>, vector<1000x128xf32>
    %get3A_2 = arith.constant 0 : index
    %get3A_3 = arith.constant 0 : index
    %get3A_4 = vector.load %arg2[%get3A_2, %get3A_3] : memref<1000x128xf32, #tpu.memory_space<vmem>>, vector<1000x128xf32>
    %get3A_5 = arith.constant 0 : index
    %get3A_6 = arith.constant 0 : index
    %get3A_7 = vector.load %arg3[%get3A_5, %get3A_6] : memref<1000x128xf32, #tpu.memory_space<vmem>>, vector<1000x128xf32>
    %concatenate3A = tpu.concatenate %get3A_1, %get3A_4, %get3A_7 in 1 : vector<1000x128xf32>, vector<1000x128xf32>, vector<1000x128xf32> -> vector<1000x384xf32>
    %reduce_sum3A = arith.constant dense<0.000000e+00> : vector<1000xf32>
    %reduce_sum3A_8 = vector.multi_reduction <add>, %concatenate3A, %reduce_sum3A [1] : vector<1000x384xf32> to vector<1000xf32>
    %broadcast_in_dim3A = vector.shape_cast %reduce_sum3A_8 : vector<1000xf32> to vector<1000x1xf32>
    %div3A = arith.constant 3.840000e+02 : f32
    %div3A_9 = vector.broadcast %div3A : f32 to vector<1000x1xf32>
    %div3A_10 = arith.divf %broadcast_in_dim3A, %div3A_9 : vector<1000x1xf32>
    %sub3A = vector.broadcast %div3A_10 : vector<1000x1xf32> to vector<1000x384xf32>
    %sub3A_11 = arith.subf %concatenate3A, %sub3A : vector<1000x384xf32>
    %sub3A_12 = vector.broadcast %div3A_10 : vector<1000x1xf32> to vector<1000x384xf32>
    %sub3A_13 = arith.subf %concatenate3A, %sub3A_12 : vector<1000x384xf32>
    %mul3A = arith.mulf %sub3A_11, %sub3A_13 : vector<1000x384xf32>
    %reduce_sum3A_14 = arith.constant dense<0.000000e+00> : vector<1000xf32>
    %reduce_sum3A_15 = vector.multi_reduction <add>, %mul3A, %reduce_sum3A_14 [1] : vector<1000x384xf32> to vector<1000xf32>
    %broadcast_in_dim3A_16 = vector.shape_cast %reduce_sum3A_15 : vector<1000xf32> to vector<1000x1xf32>
    %div3A_17 = arith.constant 3.840000e+02 : f32
    %div3A_18 = vector.broadcast %div3A_17 : f32 to vector<1000x1xf32>
    %div3A_19 = arith.divf %broadcast_in_dim3A_16, %div3A_18 : vector<1000x1xf32>
    %sub3A_20 = vector.broadcast %div3A_10 : vector<1000x1xf32> to vector<1000x384xf32>
    %sub3A_21 = arith.subf %concatenate3A, %sub3A_20 : vector<1000x384xf32>
    %add3A = arith.constant 9.99999974E-6 : f32
    %add3A_22 = vector.broadcast %add3A : f32 to vector<1000x1xf32>
    %add3A_23 = arith.addf %div3A_19, %add3A_22 : vector<1000x1xf32>
    %sqrt3A = math.sqrt %add3A_23 : vector<1000x1xf32>
    %div3A_24 = vector.broadcast %sqrt3A : vector<1000x1xf32> to vector<1000x384xf32>
    %div3A_25 = arith.divf %sub3A_21, %div3A_24 : vector<1000x384xf32>
    %get3A_26 = arith.constant 0 : index
    %get3A_27 = arith.constant 0 : index
    %get3A_28 = vector.load %arg4[%get3A_26, %get3A_27] : memref<1x384xf32, #tpu.memory_space<vmem>>, vector<1x384xf32>
    %mul3A_29 = vector.broadcast %get3A_28 : vector<1x384xf32> to vector<1000x384xf32>
    %mul3A_30 = arith.mulf %div3A_25, %mul3A_29 : vector<1000x384xf32>
    %get3A_31 = arith.constant 0 : index
    %get3A_32 = arith.constant 0 : index
    %get3A_33 = vector.load %arg5[%get3A_31, %get3A_32] : memref<1x384xf32, #tpu.memory_space<vmem>>, vector<1x384xf32>
    %add3A_34 = vector.broadcast %get3A_33 : vector<1x384xf32> to vector<1000x384xf32>
    %add3A_35 = arith.addf %mul3A_30, %add3A_34 : vector<1000x384xf32>
    %swap3A = arith.constant 0 : index
    %swap3A_36 = arith.constant 0 : index
    %swap3A_37 = vector.load %arg6[%swap3A, %swap3A_36] : memref<1000x384xf32, #tpu.memory_space<vmem>>, vector<1000x384xf32>
    tpu.vector_store %arg6[%swap3A, %swap3A_36], %add3A_35 {strides = array<i32>} : memref<1000x384xf32, #tpu.memory_space<vmem>>, vector<1000x384xf32>,
    return
  }
  func.func @transform_0(%arg0: i32) -> (i32, i32) {
    %c0_i32 = arith.constant 0 : i32
    %c0_i32_0 = arith.constant 0 : i32
    return %arg0, %c0_i32 : i32, i32
  }
  func.func @transform_1(%arg0: i32) -> (i32, i32) {
    %c0_i32 = arith.constant 0 : i32
    %c0_i32_0 = arith.constant 0 : i32
    return %arg0, %c0_i32 : i32, i32
  }
  func.func @transform_2(%arg0: i32) -> (i32, i32) {
    %c0_i32 = arith.constant 0 : i32
    %c0_i32_0 = arith.constant 0 : i32
    return %arg0, %c0_i32 : i32, i32
  }
  func.func @transform_3(%arg0: i32) -> (i32, i32) {
    %c0_i32 = arith.constant 0 : i32
    %c0_i32_0 = arith.constant 0 : i32
    %c0_i32_1 = arith.constant 0 : i32
    return %c0_i32, %c0_i32_0 : i32, i32
  }
  func.func @transform_4(%arg0: i32) -> (i32, i32) {
    %c0_i32 = arith.constant 0 : i32
    %c0_i32_0 = arith.constant 0 : i32
    %c0_i32_1 = arith.constant 0 : i32
    return %c0_i32, %c0_i32_0 : i32, i32
  }
  func.func @transform_5(%arg0: i32) -> (i32, i32) {
    %c0_i32 = arith.constant 0 : i32
    %c0_i32_0 = arith.constant 0 : i32
    return %arg0, %c0_i32 : i32, i32
  }
}

</mosaic_0001>

<sc_bundles>
// kernel: scatter_offload_async_start.1
scs
__scs_entry_jumppad:
0x0: {  	(pc) =	sbr.rel $0x88, $3  }
0x1: {  	(tag) =	ssettag $0x0;
	lr =	simm.s32 $0x1  }
0x2: {  	[smem:$0x3F87] =	sst lr;
	_ =	strace $0xD0000000  }
0x3: {  	_ = 	snop  }
0x4: {  	_ = 	snop  }
0x5: {  	_ = 	snop  }
0x6: {  	_ = 	snop  }
0x7: {  	_ = 	snop  }
__scs_overlays_trampoline_lowered:
0x8: {  	[smem:$0x3F96] =	sst s0  }
0x9: {  	[smem:$0x3F97] =	sst s1  }
0xa: {  	[smem:$0x3F98] =	sst s2  }
0xb: {  	[smem:$0x3F99] =	sst s3  }
0xc: {  	[smem:$0x3F9A] =	sst s4  }
0xd: {  	[smem:$0x3F9B] =	sst s5  }
0xe: {  	[smem:$0x3F9C] =	sst s6  }
0xf: {  	[smem:$0x3F9D] =	sst s7  }
0x10: {  	[smem:$0x3F9E] =	sst s8  }
0x11: {  	[smem:$0x3F9F] =	sst s9;
	s0 =	simm.s32 @!p0 $0x0  }
0x12: {  	s1 =	sld [smem:$0x3F85];
	s0 =	simm.s32 @p0 $0x1  }
0x13: {  	[smem:$0x3FA0] =	sst s0;
	s0 =	simm.s32 @!p1 $0x0  }
0x14: {  	s2 =	sld [smem:$0x3F84];
	s0 =	simm.s32 @p1 $0x1  }
0x15: {  	[smem:$0x3FA1] =	sst s0;
	s0 =	simm.s32 @!p2 $0x0  }
0x16: {  	s3 =	sld [smem:$0x3FDB];
	s0 =	simm.s32 @p2 $0x1  }
0x17: {  	s4 =	simm.s32 $0x1BF5;
	[smem:$0x3FA3] =	sst s0  }
0x18: {  	s0 =	sld [smem:$0x3F86];
	_ =	swait.ge [sflag:s4], $0x0  }
0x19: {  	s7 =	sld [smem:$0x3F87]  }
0x1a: {  	s8 =	sadd.s32 $0xFFFFE003, lr  }
0x1b: {  	s9 =	sadd.s32 $0xFFFFFEF7, lr;
	s5 =	simm.s32 $0xFFFFFFFF;
	p2 =	slt.u32 s8, $0xFFFFF086  }
0x1c: {  	p1 =	slt.u32 s9, $0xF7A;
	s5 =	simm.s32 @!p2 $0x0  }
0x1d: {  	s5 =	simm.s32 @p1 $0x1;
	p0 =	seq.s32 s7, s2  }
0x1e: {  	s7 =	smul.u32 @!p0 $0xF7A, s2;
	p2 =	seq.s32 @!p0 s5, $0x0  }
0x1f: {  	s9 =	smul.u32 $0xF7A, s1;
	s8 =	simm.s32 @!p0 $0x1BF5;
	p2 =	por !p2, p0  }
0x20: {  	[sflag:s8] =	ssyncset.s32 @!p0 $0xFFFFF086;
	s6 =	sadd.s32 @!p0 s3, s7;
	s7 =	simm.s32 @!p0 $0x108  }
0x21: {  	s3 =	sadd.s32 s3, s9;
	s6 =	sadd.s32 @!p0 $0x88, s6;
	s7 =	simm.s32 @p2 $0x1082  }
0x22: {  	[simem:s7], [sflag:s8] =	dma.local @!p0 [hbm:s6], $0xF7A  }
0x23: {  	s9 =	sor.u32 $0xD0000000, s2;
	s6 =	simm.s32 $0x108;
	_ =	swait.ge @!p0 [sflag:s8], $0x0  }
0x24: {  	s3 =	sadd.s32 $0x88, s3;
	s6 =	simm.s32 @!p1 $0x1082;
	[sflag:s4] =	ssyncset.s32 $0xFFFFF086  }
0x25: {  	[simem:s6], [sflag:s4] =	dma.local [hbm:s3], $0xF7A  }
0x26: {  	[smem:$0x3F87] =	sst s1;
	(tag) =	ssettag s2;
	_ =	strace s9  }
0x27: {  	s1 =	sld [smem:$0x3F97]  }
0x28: {  	s2 =	sld [smem:$0x3F98]  }
0x29: {  	s4 =	sld [smem:$0x3F9A]  }
0x2a: {  	p0 =	seq.s32 s5, $0x0;
	s5 =	sld [smem:$0x3F9B]  }
0x2b: {  	s6 =	sld [smem:$0x3F9C]  }
0x2c: {  	s7 =	sld [smem:$0x3F9D]  }
0x2d: {  	s3 =	simm.s32 $0x108;
	s8 =	sld [smem:$0x3F9E]  }
0x2e: {  	s3 =	simm.s32 @!p0 $0x1082;
	s9 =	sld [smem:$0x3F9F]  }
0x2f: {  	lr =	sadd.s32 s0, s3;
	s0 =	sld [smem:$0x3F96]  }
0x30: {  	s3 =	sld [smem:$0x3F99]  }
0x31: {  	[smem:$0x3FA2] =	sst s10  }
0x32: {  	s10 =	sld [smem:$0x3FA0];
	_ =	sdelay $0x3  }
0x33: {  	p0 =	seq.s32 s10, $0x1;
	s10 =	sld [smem:$0x3FA2];
	_ =	sdelay $0x3  }
0x34: {  	[smem:$0x3FA2] =	sst s10  }
0x35: {  	s10 =	sld [smem:$0x3FA1];
	_ =	sdelay $0x3  }
0x36: {  	p1 =	seq.s32 s10, $0x1;
	s10 =	sld [smem:$0x3FA2];
	_ =	sdelay $0x3  }
0x37: {  	[smem:$0x3FA2] =	sst s10  }
0x38: {  	s10 =	sld [smem:$0x3FA3]  }
0x39: {  	_ = 	snop;
	(pc) =	sbr.ind lr, $3  }
0x3a: {  	_ = 	snop  }
0x3b: {  	_ = 	snop  }
0x3c: {  	p2 =	seq.s32 s10, $0x1;
	s10 =	sld [smem:$0x3FA2]  }
0x3d: {  	_ =	shalt  }
0x3e: {  	_ =	shalt  }
0x3f: {  	_ =	shalt  }
0x40: {  	_ =	shalt  }
0x41: {  	_ =	shalt  }
0x42: {  	_ =	shalt  }
0x43: {  	_ =	shalt  }
0x44: {  	_ =	shalt  }
0x45: {  	_ =	shalt  }
0x46: {  	_ =	shalt  }
0x47: {  	_ =	shalt  }
0x48: {  	_ =	shalt  }
0x49: {  	_ =	shalt  }
0x4a: {  	_ =	shalt  }
0x4b: {  	_ =	shalt  }
0x4c: {  	_ =	shalt  }
0x4d: {  	_ =	shalt  }
0x4e: {  	_ =	shalt  }
0x4f: {  	_ =	shalt  }
0x50: {  	_ =	shalt  }
0x51: {  	_ =	shalt  }
0x52: {  	_ =	shalt  }
0x53: {  	_ =	shalt  }
0x54: {  	_ =	shalt  }
0x55: {  	_ =	shalt  }
0x56: {  	_ =	shalt  }
0x57: {  	_ =	shalt  }
0x58: {  	_ =	shalt  }
0x59: {  	_ =	shalt  }
0x5a: {  	_ =	shalt  }
0x5b: {  	_ =	shalt  }
0x5c: {  	_ =	shalt  }
0x5d: {  	_ =	shalt  }
0x5e: {  	_ =	shalt  }
0x5f: {  	_ =	shalt  }
0x60: {  	_ =	shalt  }
0x61: {  	_ =	shalt  }
0x62: {  	_ =	shalt  }
0x63: {  	_ =	shalt  }
0x64: {  	_ =	shalt  }
0x65: {  	_ =	shalt  }
0x66: {  	_ =	shalt  }
0x67: {  	_ =	shalt  }
0x68: {  	_ =	shalt  }
0x69: {  	_ =	shalt  }
0x6a: {  	_ =	shalt  }
0x6b: {  	_ =	shalt  }
0x6c: {  	_ =	shalt  }
0x6d: {  	_ =	shalt  }
0x6e: {  	_ =	shalt  }
0x6f: {  	_ =	shalt  }
0x70: {  	_ =	shalt  }
0x71: {  	_ =	shalt  }
0x72: {  	_ =	shalt  }
0x73: {  	_ =	shalt  }
0x74: {  	_ =	shalt  }
0x75: {  	_ =	shalt  }
0x76: {  	_ =	shalt  }
0x77: {  	_ =	shalt  }
0x78: {  	_ =	shalt  }
0x79: {  	_ =	shalt  }
0x7a: {  	_ =	shalt  }
0x7b: {  	_ =	shalt  }
0x7c: {  	_ =	shalt  }
0x7d: {  	_ =	shalt  }
0x7e: {  	_ =	shalt  }
0x7f: {  	_ =	shalt  }
0x80: {  	_ =	shalt  }
0x81: {  	_ =	shalt  }
0x82: {  	_ =	shalt  }
0x83: {  	_ =	shalt  }
0x84: {  	_ =	shalt  }
0x85: {  	_ =	shalt  }
0x86: {  	_ =	shalt  }
0x87: {  	_ =	shalt  }
.Lfunc_end0:
.L_simem_size_0:
called_computation.1_lowered:
.L_overlay_start_0:
0x88: {  	s0 =	sld [smem:$0x3FD9]  }
0x89: {  	s1 =	sld [smem:$0x3FFE];
	_ =	sdelay $0x3  }
0x8a: {  	s0 =	sadd.s32 s1, s0  }
0x8b: {  	[smem:$0x3FAE] =	sst s0  }
0x8c: {  	_ = 	snop  }
0x8d: {  	(tm) =	ssettm $0x1  }
0x8e: {  	s15 =	sld [smem:$0x3FFB];
	_ =	sdelay $0x3  }
0x8f: {  	_ =	strace s15  }
0x90: {  	s0 =	sld [smem:$0x3FFC];
	_ =	sdelay $0x3  }
0x91: {  	_ =	strace s0  }
0x92: {  	s0 =	sld [smem:$0x3FFD];
	_ =	sdelay $0x3  }
0x93: {  	_ =	strace s0  }
0x94: {  	_ =	strace $0x8FFFFFFF  }
0x95: {  	s16 =	sld [smem:$0x3FDB];
	_ =	sdelay $0x1  }
0x96: {  	s17 =	simm.s32 $_scs_section_size  }
0x97: {  	s2 =	simm.s32 $_size__tile_overlayer_lowered;
	s3 =	simm.s32 $_tile_overlayer_lowered  }
0x98: {  	s20 =	simm.s32 $0x1BFF;
	s19 =	sshll.u32 s3, $0x1;
	s0 =	sadd.s32 s17, s16  }
0x99: {  	s4 =	simm.s32 $0x0;
	s18 =	sshll.u32 s2, $0x1;
	s2 =	sadd.s32 s19, s0  }
0x9a: {  	[timem:s4], [sflag:s20] =	dma.local [hbm:s2], s18  }
0x9b: {  	_ =	swait.ge [sflag:s20], s18  }
0x9c: {  	s1 =	ssub.s32 $0x0, s18;
	[sflag:s20] =	ssyncset.done $0x0  }
0x9d: {  	[sflag:s20] =	ssyncadd.s32 s1;
	_ =	sdelay $0x1  }
0x9e: {  	s21 =	simm.s32 $0x1B8B  }
0x9f: {  	_ =	swait.ge [sflag:s21], $0x1  }
0xa0: {  	[sflag:s21] =	ssyncset.done $0x0  }
0xa1: {  	s23 =	simm.s32 $0x1B8E;
	s22 =	sld [smem:$0x3FFE];
	[sflag:s21] =	ssyncadd.s32 $0xFFFFFFFF  }
0xa2: {  	s24 =	simm.s32 $execute0_lowered;
	[smem:$0x3FD2] =	sst s23  }
0xa3: {  	s2 =	sshll.u32 s24, $0x1;
	_ =	strace $0x80000049;
	[dreg:$0x1] =	wrdreg $0xFFFFFFFF  }
0xa4: {  	s25 =	simm.s32 $_size_execute0_lowered;
	s0 =	sadd.s32 s0, s2;
	[dreg:$0x0] =	wrdreg $0x0  }
0xa5: {  	s2 =	sshll.u32 s25, $0x1;
	[dreg:$0x2] =	wrdreg s0  }
0xa6: {  	[dreg:$0x3] =	wrdreg s2  }
0xa7: {  	[dreg:$0x4] =	wrdreg $0xC0  }
0xa8: {  	_ =	task [dreg:s4], $0x5FFFF  }
0xa9: {  	[dreg:$0x1] =	wrdreg $0xFFFFFFFF  }
0xaa: {  	[dreg:$0x0] =	wrdreg $0x60  }
0xab: {  	[dreg:$0x2] =	wrdreg s22  }
0xac: {  	[dreg:$0x3] =	wrdreg $0x9  }
0xad: {  	_ =	task.clear_ibuf [dreg:s4], $0x4FFFF;
	_ =	strace $0x90000049  }
0xae: {  	s26 =	simm.s32 $0x9;
	_ =	strace $0x8000004B  }
0xaf: {  	_ =	swait.ge [sflag:s26], $0x1  }
0xb0: {  	[sflag:s26] =	ssyncadd.s32 $0xFFFFFFFF  }
0xb1: {  	_ =	strace $0x9000004B  }
0xb2: {  	_ =	sfence  }
0xb3: {  	s28 =	sld [smem:$0x0];
	_ =	sdelay $0x1  }
0xb4: {  	s29 =	srdreg.scid  }
0xb5: {  	s30 =	sshll.u32 s29, $0xD;
	s31 =	sshrl.u32 s29, $0x2  }
0xb6: {  	s1 =	sand.u32 $0x1, s29;
	s2 =	sand.u32 $0x4000, s30;
	s0 =	sadd.s32 s31, s28  }
0xb7: {  	s1 =	sor.u32 s2, s1;
	s0 =	sshll.u32 s0, $0x11  }
0xb8: {  	s0 =	sor.u32 s0, s1  }
0xb9: {  	s0 =	sadd.s32 $0x8F2B, s0  }
0xba: {  	[sflag:s0] =	ssyncadd.remote.s32 $0x1  }
0xbb: {  	_ =	sfence.sel $0xFFFF  }
0xbc: {  	[dreg:$0x0] =	wrdreg $0xFFFFFFFF;
	(pc) =	sbr.abs _section_cstart, $3  }
0xbd: {  	[dreg:$0x1] =	wrdreg $0xFFFFFFFF  }
0xbe: {  	_ =	task.clear_ibuf [dreg:s4], $0x2FFFF;
	_ =	strace $0x9FFFFFFF  }
0xbf: {  	(tm) =	ssettm $0x7FFFFFFF  }
tec
execute0_lowered:
.L_overlay_start_1:
0x0: {  	(tag) =	ssettag $0x1  }
0x1: {  	s0 =	rddreg [dreg:$0x0]  }
0x2: {  	s6 =	stileid.u32;
	_ =	strace $0x8000004A;
	s2 =	simm.s32 $0x1  }
0x3: {  	v1 =	vimm.s32 $0xFFFFFFFF;
	s1 =	smin.u32 s6, $0x9;
	[sflag:s2] =	ssyncpa.u1 $0x0  }
0x4: {  	s1 =	sadd.s32 s6, s1;
	[tilespmem:$0x10] =	vst v1  }
0x5: {  	v0 =	vimm.f32 $0.0e+00;
	p0 =	slt.u32 s6, $0x9;
	[tilespmem:$0x20] =	vst v1;
	s3 =	smul.u32 $0x1A90, s1;
	s1 =	simm.s32 $0x3520  }
0x6: {  	[tilespmem:$0x30] =	vst v0;
	s1 =	simm.s32 @!p0 $0x1A90  }
0x7: {  	[tilespmem:$0x40] =	vst v0;
	s1 =	sadd.s32 s1, s3  }
0x8: {  	[tilespmem:$0x50] =	vst v0;
	s4 =	smin.u32 s1, $0x29810  }
0x9: {  	s7 =	simm.s32 $0x2;
	[tilespmem:$0x60] =	vst v1;
	s9 =	ssub.s32 s4, s3  }
0xa: {  	s8 =	simm.s32 $0x8;
	s31 =	simm.s32 $0x9;
	[tilespmem:$0x70] =	vst v1;
	p0 =	sgt.s32 s9, $0x0  }
0xb: {  	s16 =	simm.s32 $0x0;
	s17 =	simm.s32 $0xF0;
	[tilespmem:$0x80] =	vst v1;
	s9 =	simm.s32 @!p0 $0x0  }
0xc: {  	s18 =	simm.s32 $0xFFFFFFFF;
	s19 =	simm.s32 $0xFFFFCBE0;
	v1 =	vimm.s32 $0x0;
	[tilespmem:$0xB0] =	vst v0;
	s5 =	smulhi.u32 $0x134679AD, s9  }
0xd: {  	s20 =	simm.s32 $0xFFFFFFFE;
	s21 =	simm.s32 $0xF;
	s25 =	simm.s32 $0x0;
	[tilespmem:$0x90] =	vst v1  }
0xe: {  	[tilespmem:$0xA0] =	vst v1;
	[sflag:s7] =	ssyncpa.u1 $0x0;
	s7 =	simm.s32 $0x7;
	s10 =	sshrl.u32 s5, $0x9  }
0xf: {  	s24 =	simm.s32 $0x0;
	[sflag:s7] =	ssyncpa.u1 $0x0;
	s11 =	smul.u32 $0x1A90, s10  }
0x10: {  	s14 =	sshllo.u32 s6, $0x1;
	[sflag:s8] =	ssyncpa.u1 $0x0;
	s23 =	smov.u32 s3  }
.Ltmp0:
0x11: {  	s1 =	sadd.s32 $0x413C00, s0;
	p0 =	sne.s32 s9, s11;
	(pc) =	sbr.rel .LBB2_1-.Ltmp0, $4  }
0x12: {  	s5 =	sadd.s32 $0x9E000, s0;
	s0 =	sadd.s32 $0xA3400, s0;
	s2 =	simm.s32 @!p0 $0x0  }
0x13: {  	[sflag:s31] =	ssyncpa.u1 $0x0;
	[dreg:$0x2] =	wrdreg s0;
	s9 =	sadd.s32 s2, s10  }
0x14: {  	vm0 =	vmmov $0xffff;
	v2 =	vlaneseq.u32;
	p0 =	por $0x0, $0x0;
	s10 =	sshll.u32 s6, $0x1;
	s11 =	sadd.s32 $0x1, s9  }
0x15: {  	vm1 =	vmxor vm1, vm1;
	vm2 =	vmmov $0x1;
	vm3 =	vcmask $0x3F3C;
	s12 =	sadd.s32 $0x2, s9;
	s13 =	sor.u32 $0x81, s10;
	s15 =	sor.u32 $0x80, s10  }
.LBB2_9:
0x16: {  	p1 =	slt.u32 s24, $0x3  }
0x17: {  	s0 =	simm.s32 @!p1 $0x2  }
0x18: {  	_ =	swait.ge @!p1 [sflag:s0], $0x1A90  }
0x19: {  	[sflag:s0] =	ssyncset.done @!p1 $0x0  }
0x1a: {  	[sflag:s0] =	ssyncadd.s32 @!p1 $0xFFFFE570;
	s0 =	simm.s32 @!p1 $0x9  }
0x1b: {  	_ =	swait.ge @!p1 [sflag:s0], $0x10  }
0x1c: {  	[sflag:s0] =	ssyncset.done @!p1 $0x0  }
0x1d: {  	[sflag:s0] =	ssyncadd.s32 @!p1 $0xFFFFFFF0;
	p1 =	sne.s32 s24, s12  }
.Ltmp1:
0x1e: {  	s2 =	sadd.s32 $0x1A90, s23;
	(pc) =	sbr.rel @!p1 .LBB2_10-.Ltmp1, $4  }
0x1f: {  	s6 =	smov.u32 s3;
	s31 =	sadd.s32 $0x1, s24;
	s17 =	sadd.s32 $0x1A90, s17  }
0x20: {  	s18 =	sadd.s32 $0x1, s18;
	s25 =	smov.u32 s23;
	p2 =	slt.s32 s2, s4  }
0x21: {  	p0 =	por !p0, !p0;
	s19 =	sadd.s32 $0x1A90, s19;
	s6 =	smov.u32 @p2 s2  }
0x22: {  	s20 =	sadd.s32 $0x1, s20;
	s23 =	smov.u32 s6;
	s24 =	smov.u32 s31  }
.LBB2_1:
0x23: {  	p1 =	sge.u32 s24, s9  }
0x24: {  	s0 =	smulhi.u32 @!p1 $0xAAAAAAAB, s24;
	_ =	sdelay $0x1  }
0x25: {  	s0 =	sshrl.u32 @!p1 s0, $0x1  }
0x26: {  	s0 =	smul.u32 @!p1 $0x3, s0;
	_ =	sdelay $0x1  }
0x27: {  	s0 =	ssub.s32 @!p1 s24, s0  }
0x28: {  	s0 =	smul.u32 @!p1 $0x6A40, s0;
	_ =	sdelay $0x1  }
0x29: {  	s2 =	sshrl.u32 @!p1 s23, $0x3;
	s0 =	sshrl.u32 @!p1 s0, $0x2  }
0x2a: {  	s22 =	sand.u32 @!p1 $0x7, s23;
	s2 =	sadd.s32 @!p1 s5, s2;
	s0 =	sadd.s32 @!p1 $0x100, s0  }
0x2b: {  	[tilespmem:s0], [sflag:$0x7] =	stream.linear.gather @!p1 [hbm4b:s2+s22], $0x1A90, $0x38;
	[tilespmem:$0xF030] =	vst v63  }
0x2c: {  	s0 =	sadd.s32 $0xFFFFFFFF, s24  }
0x2d: {  	p1 =	sge.u32 s0, s9  }
.Ltmp2:
0x2e: {  	_ = 	snop;
	(pc) =	sbr.rel @p1 .LBB2_5-.Ltmp2, $1  }
0x2f: {  	_ =	sdelay $0x3  }
0x30: {  	s2 =	smulhi.u32 $0xAAAAAAAB, s0;
	_ =	sdelay $0x1  }
0x31: {  	s2 =	sshrl.u32 s2, $0x1  }
0x32: {  	s2 =	smul.u32 $0x3, s2;
	_ =	sdelay $0x1  }
0x33: {  	s2 =	ssub.s32 s0, s2  }
0x34: {  	s2 =	smul.u32 $0x6A40, s2  }
0x35: {  	_ =	swait.ge [sflag:s7], $0x1A90  }
0x36: {  	[sflag:s7] =	ssyncset.done $0x0;
	s2 =	sshrl.u32 s2, $0x2  }
0x37: {  	[sflag:s7] =	ssyncadd.s32 $0xFFFFE570;
	(ifvalue) =	ssetifvalue $0xFFFFFFFF;
	v3 =	vld.msk [tilespmem:s2+$0x100 ss:$0x1], $0xffff;
	_ =	sdelay $0x2  }
0x38: {  	s30 =	smulhi.u32 $0xAAAAAAAB, s18;
	p1 =	sne.s32 s24, $0x1  }
0x39: {  	v4 =	vimm.s32 @!p1 $0x0  }
0x3a: {  	s2 =	sshrl.u32 s30, $0x1;
	v4 =	vperm.xlane @!p1 v3, v4  }
0x3b: {  	s22 =	sshll.u32 s24, $0x4;
	s2 =	smul.u32 $0xFFFEC140, s2;
	vm4 =	vlt.u32 v3, $0x5F5E400  }
0x3c: {  	s22 =	sand.u32 $0x10, s22;
	v3 =	vnsel vm4, $0xFFFFFFFE, v3;
	vm4 =	vlt.u32 @!p1 v4, $0x5F5E400  }
0x3d: {  	s2 =	sshra.s32 s2, $0x2;
	[tilespmem:s22+$0x60] =	vst v3;
	v3 =	vnsel @!p1 vm4, $0xFFFFFFFE, v4  }
0x3e: {  	s28 =	sadd.s32 s2, s17;
	[tilespmem:$0x80] =	vst @!p1 v3  }
0x3f: {  	v3 =	vld.msk [tilespmem:s28+$0x0 ss:$0x1], $0xffff;
	_ =	sdelay $0x4  }
0x40: {  	(xrf1) =	vunique.msk.u32 $0xffff, v3;
	_ =	sdelay $0xd  }
0x41: {  	v4 =	vimm.s32 $0xFFFFFFFF;
	v5, _, _ =	vpop (xrf1)  }
0x42: {  	vm5 =	vne.s32 v3, v4;
	vm4 =	veq.s32 v5, v2  }
0x43: {  	vm6 =	vlt.u32 v3, $0x5F5E400;
	vm4 =	vmand vm5, vm4  }
0x44: {  	vm4 =	vmand vm6, vm4  }
0x45: {  	v4 =	vnsel vm4, $0xFFFFFFFF, v3  }
0x46: {  	s31 =	sand.u32 $0x1, s0  }
0x47: {  	s0 =	simm.s32 $0x1A90;
	p1 =	seq.s32 s31, $0x1  }
0x48: {  	s0 =	simm.s32 @!p1 $0x0  }
0x49: {  	s26 =	sadd.s32 $0x6B30, s0;
	(ifvalue) =	ssetifvalue $0xFFFFFFFF  }
0x4a: {  	v3 =	vperm.xlane v3, v1;
	[tilespmem:s26], [sflag:$0x8] =	stream.indirect_vreg.gather [hbm4b:s1+s16], $0x1, v4, vm0, $0x4038;
	v4 =	vnsel vm6, $0xFFFFFFFE, v4;
	[tilespmem:$0xF030] =	vst v63  }
0x4b: {  	s2 =	simm.s32 $0x0;
	s22 =	sadd.s32 $0xFFFFFFF0, s28;
	[tilespmem:s28+$0x0] =	vst v4  }
.LBB2_3:
0x4c: {  	v4 =	vld.msk [tilespmem:s22+$0x0 ss:$0x1], $0xffff;
	s2 =	sadd.s32 $0x10, s2;
	v5 =	vmov v3;
	s28 =	smov.u32 s22  }
0x4d: {  	p1 =	slt.u32 s2, $0x1A80;
	_ =	sdelay $0x4  }
0x4e: {  	v3 =	vperm.xlane v4, v1;
	(xrf1) =	vunique.msk.u32 $0xffff, v4;
	_ =	sdelay $0xd  }
0x4f: {  	v6, _, _ =	vpop (xrf1)  }
0x50: {  	vm5 =	vne.s32 v4, v5;
	vm4 =	veq.s32 v6, v2  }
0x51: {  	vm6 =	vlt.u32 v4, $0x5F5E400;
	vm4 =	vmand vm5, vm4  }
0x52: {  	vm4 =	vmand vm6, vm4  }
0x53: {  	v4 =	vnsel vm4, $0xFFFFFFFF, v4  }
.Ltmp3:
0x54: {  	v5 =	vnsel vm6, $0xFFFFFFFE, v4;
	(pc) =	sbr.rel @p1 .LBB2_3-.Ltmp3, $3  }
0x55: {  	_ =	sdelay $0x1  }
0x56: {  	s22 =	sadd.s32 $0xFFFFFFF0, s22;
	s26 =	sadd.s32 $0xFFFFFFF0, s26;
	(ifvalue) =	ssetifvalue $0xFFFFFFFF  }
0x57: {  	[tilespmem:s26], [sflag:$0x8] =	stream.indirect_vreg.gather [hbm4b:s1+s16], $0x1, v4, vm0, $0x4038;
	[tilespmem:s28+$0x0] =	vst v5  }
0x58: {  	s2 =	sshrl.u32 s25, $0x3;
	s6 =	rddreg [dreg:$0x2]  }
0x59: {  	s0 =	sadd.s32 $0x85D0, s0;
	s2 =	sadd.s32 s6, s2  }
0x5a: {  	[tilespmem:s0], [sflag:$0x8] =	stream.linear.gather [hbm:s2], $0x1A90, $0x38;
	[tilespmem:$0xF030] =	vst v63  }
.LBB2_5:
0x5b: {  	p1 =	slt.u32 s24, $0x2  }
0x5c: {  	p2 =	sge.u32 @!p1 s24, s12  }
0x5d: {  	p1 =	por p1, p2  }
.Ltmp4:
0x5e: {  	_ = 	snop;
	(pc) =	sbr.rel @p1 .LBB2_9-.Ltmp4, $1  }
0x5f: {  	_ =	sdelay $0x3  }
0x60: {  	s0 =	sadd.s32 $0xFFFFFFFE, s24  }
0x61: {  	s2 =	smulhi.u32 $0xAAAAAAAB, s0;
	_ =	sdelay $0x1  }
0x62: {  	s2 =	sshrl.u32 s2, $0x1  }
0x63: {  	s2 =	smul.u32 $0x3, s2;
	_ =	sdelay $0x1  }
0x64: {  	s0 =	ssub.s32 s0, s2  }
0x65: {  	_ =	swait.ge [sflag:s8], $0x3520;
	s0 =	smul.u32 $0x1A90, s0  }
0x66: {  	p1 =	sne.s32 s24, s11;
	[sflag:s8] =	ssyncset.done $0x0  }
0x67: {  	[sflag:s8] =	ssyncadd.s32 $0xFFFFCAE0;
	s2 =	sadd.s32 @!p1 $0x1B8F, s0  }
0x68: {  	[spmem:s13] =	stream.linear.scatter @!p1 [tilespmem:s2], [sflag:$0x1], $0x1, $0x38;
	[tilespmem:$0xF030] =	vst v63  }
0x69: {  	s2 =	simm.s32 @!p1 $0x1  }
0x6a: {  	_ =	swait.ge @!p1 [sflag:s2], $0x1  }
0x6b: {  	s22 =	sshll.u32 s24, $0x4;
	[sflag:s2] =	ssyncset.done @!p1 $0x0  }
0x6c: {  	s25 =	sand.u32 $0x10, s22;
	[sflag:s2] =	ssyncadd.s32 @!p1 $0xFFFFFFFF  }
0x6d: {  	s2 =	sxor.u32 $0x10, s25;
	v4 =	vld [tilespmem:s25+$0x10]  }
0x6e: {  	v5 =	vld [tilespmem:s2+$0x60]  }
0x6f: {  	v3 =	vld [tilespmem:$0x80];
	_ =	sdelay $0x2  }
0x70: {  	(v2sf) =	vpush v4, $0x0  }
0x71: {  	(v2sf) =	vpush v5, $0x0  }
0x72: {  	(v2sf) =	vpush v3, $0x0;
	_ =	sdelay $0xc  }
0x73: {  	s6 =	spop (v2sf)  }
0x74: {  	s28 =	spop (v2sf)  }
0x75: {  	s26 =	spop (v2sf)  }
0x76: {  	p2 =	seq.s32 s6, s28;
	p3 =	seq.s32 s26, s6  }
0x77: {  	p3 =	por p2, p3  }
0x78: {  	s6 =	sand.u32 $0x1, s24;
	v4 =	vpsel p3, $0xFFFFFFFF, v4  }
0x79: {  	s28 =	smul.u32 $0x1A90, s6;
	[tilespmem:s25+$0x10] =	vst.msk $0x1, v4  }
0x7a: {  	v4 =	vld [tilespmem:$0x30]  }
0x7b: {  	v5 =	vld [tilespmem:s28+$0x85D0]  }
0x7c: {  	v6 =	vld [tilespmem:s25+$0x40];
	_ =	sdelay $0x3  }
0x7d: {  	vm4 =	vmmov vm1;
	v5 =	vadd.f32 v5, v4  }
0x7e: {  	vm5 =	vmmov vm2;
	vm4 =	vmmov @p2 vm2;
	v4 =	vadd.f32 v6, v4  }
0x7f: {  	s22 =	sshll.u32 s6, $0x4;
	vm5 =	vmmov @p3 vm1;
	[tilespmem:s28+$0x85D0] =	vst.msk vm4, v5  }
0x80: {  	[tilespmem:s22+$0xF010] =	vst.msk vm5, v4  }
0x81: {  	v4 =	vld [tilespmem:s28+$0x6B30];
	_ =	sdelay $0x3  }
0x82: {  	v5 =	vimm.f32 $0.0e+00  }
0x83: {  	v4 =	vshift.insert v4, v5, s21  }
0x84: {  	s29 =	sor.u32 $0x40, s2  }
0x85: {  	[tilespmem:s29+$0x0] =	vst.msk $0x1, v4  }
0x86: {  	[tilespmem:s28+$0x6B3F] =	vst.msk $0x1, v5  }
0x87: {  	v4 =	vld [tilespmem:s0+$0x1B80];
	_ =	sdelay $0x1  }
0x88: {  	s29 =	smulhi.u32 $0xAAAAAAAB, s20;
	s0 =	simm.s32 $0x1  }
0x89: {  	s0 =	simm.s32 @!p0 $0x0  }
0x8a: {  	s29 =	sshrl.u32 s29, $0x1;
	s0 =	smul.u32 $0x6A40, s0  }
0x8b: {  	s29 =	smul.u32 $0xFFFEC140, s29;
	v4 =	vshift.insert v4, v1, s21  }
0x8c: {  	s0 =	sshrl.u32 s0, $0x2  }
0x8d: {  	s29 =	sshra.s32 s29, $0x2;
	s30 =	sadd.s32 $0x85D0, s0;
	[tilespmem:s2+$0x10] =	vst.msk $0x1, v4  }
0x8e: {  	s6 =	sadd.s32 s29, s19;
	v6 =	vld [tilespmem:s30+$0x0]  }
0x8f: {  	v7 =	vld [tilespmem:s6+$0x0];
	_ =	sdelay $0x3  }
0x90: {  	v5 =	vadd.f32 v6, v5  }
0x91: {  	vm4 =	vne.s32 v7, $0xFFFFFFFF  }
0x92: {  	(xrf2) =	vadd.seg.scan.f32 vm4, v5;
	_ =	sdelay $0x3  }
0x93: {  	s31 =	sadd.s32 $0x50B0, s0;
	v5 =	vperm.xlane v4, v1  }
0x94: {  	v6 =	vld [tilespmem:s31+$0x0]  }
0x95: {  	vm5 =	veq.s32 v7, v3;
	vm6 =	veq.s32 v7, v5  }
0x96: {  	vm7 =	vgt.u32 v7, $0xFFFFFFFD;
	vm6 =	vmor vm6, vm5  }
0x97: {  	vm6 =	vmor vm6, vm7  }
0x98: {  	v9 =	vld [tilespmem:$0xA0];
	v7 =	vsel vm6, $0xFFFFFFFF, v7  }
0x99: {  	v10 =	vld [tilespmem:$0x90];
	v6 =	vsel vm5, $0x0, v6;
	v8, _, _ =	vpop (xrf2)  }
0x9a: {  	v6 =	vadd.f32 v8, v6  }
0x9b: {  	s0 =	sadd.s32 $0xBAF0, s0  }
0x9c: {  	vm4 =	vmand vm4, vm3;
	[tilespmem:s0+$0x0] =	vst v6;
	(ifvalue) =	ssetifvalue $0xFFFFFFFF  }
0x9d: {  	vm6 =	veq.s32 v9, $0x1;
	[hbm4b:s1+s16] =	stream.indirect_vreg.scatter [tilespmem:s0], [sflag:$0x2], $0x1, v7, vm0, $0x4038;
	v7 =	vsel vm4, $0x0, v8;
	[tilespmem:$0xF030] =	vst v63  }
0x9e: {  	s29 =	sadd.s32 $0xF010, s22;
	s22 =	sadd.s32 $0x10, s6;
	s2 =	simm.s32 $0x0;
	vm4 =	vmor vm6, vm5;
	v6 =	vsel vm5, v8, v10;
	v7 =	vshift.insert v7, v0, s21  }
.LBB2_7:
0x9f: {  	v8 =	vld [tilespmem:s22+$0x0];
	s30 =	sadd.s32 $0x10, s30  }
0xa0: {  	s31 =	sadd.s32 $0x10, s31;
	v9 =	vld [tilespmem:s30+$0x0]  }
0xa1: {  	s2 =	sadd.s32 $0x10, s2;
	v10 =	vld [tilespmem:s31+$0x0]  }
0xa2: {  	p2 =	slt.u32 s2, $0x1A80;
	_ =	sdelay $0x2  }
0xa3: {  	v7 =	vadd.f32 v9, v7  }
0xa4: {  	vm5 =	vne.s32 v8, $0xFFFFFFFF  }
0xa5: {  	vm6 =	vmand vm5, vm3;
	(xrf2) =	vadd.seg.scan.f32 vm5, v7;
	_ =	sdelay $0x5  }
0xa6: {  	vm7 =	veq.s32 v8, v5;
	vm5 =	veq.s32 v8, v3  }
0xa7: {  	vm8 =	vgt.u32 v8, $0xFFFFFFFD;
	vm4 =	vmor vm4, vm5;
	vm7 =	vmor vm7, vm5  }
0xa8: {  	vm7 =	vmor vm7, vm8  }
0xa9: {  	v8 =	vsel vm7, $0xFFFFFFFF, v8  }
.Ltmp5:
0xaa: {  	v7 =	vsel vm5, $0x0, v10;
	v9, _, _ =	vpop (xrf2);
	(pc) =	sbr.rel @p2 .LBB2_7-.Ltmp5, $4  }
0xab: {  	v6 =	vsel vm5, v9, v6;
	v10 =	vadd.f32 v9, v7;
	v7 =	vsel vm6, $0x0, v9  }
0xac: {  	s0 =	sadd.s32 $0x10, s0;
	v7 =	vshift.insert v7, v0, s21  }
0xad: {  	s22 =	sadd.s32 $0x10, s22;
	[tilespmem:s0+$0x0] =	vst v10;
	(ifvalue) =	ssetifvalue $0xFFFFFFFF  }
0xae: {  	[hbm4b:s1+s16] =	stream.indirect_vreg.scatter [tilespmem:s0], [sflag:$0x2], $0x1, v8, vm0, $0x4038;
	[tilespmem:$0xF030] =	vst v63  }
0xaf: {  	v3 =	vld [tilespmem:s28+$0xD570];
	_ =	sdelay $0x4  }
0xb0: {  	v3 =	vshift.insert v3, v0, s21  }
0xb1: {  	s0 =	simm.s32 $0x30  }
0xb2: {  	[tilespmem:s0+$0x0] =	vst.msk $0x1, v3  }
0xb3: {  	v3 =	vsel vm4, $0x1, v1;
	[tilespmem:$0x90] =	vst v6  }
0xb4: {  	s0 =	sadd.s32 @!p1 $0xD57F, s28;
	[tilespmem:$0xA0] =	vst v3  }
0xb5: {  	[spmem:s14] =	stream.linear.scatter @!p1 [tilespmem:s0], [sflag:$0x1], $0x1, $0x38;
	[tilespmem:$0xF030] =	vst v63  }
0xb6: {  	s0 =	simm.s32 @!p1 $0x1  }
0xb7: {  	v3 =	vmctz.xlane @!p1 vm4;
	_ =	swait.ge @!p1 [sflag:s0], $0x1  }
0xb8: {  	(v2sf) =	vpush @!p1 v4, $0x0  }
0xb9: {  	(v2sf) =	vpush @!p1 v3, $0x0;
	_ =	sdelay $0xd  }
0xba: {  	s2 =	spop @!p1 (v2sf)  }
0xbb: {  	s6 =	spop @!p1 (v2sf)  }
0xbc: {  	p2 =	sne.s32 @!p1 s26, s2;
	p3 =	slt.s32 @!p1 s6, $0xF  }
0xbd: {  	[sflag:s0] =	ssyncset.done @!p1 $0x0;
	p2 =	por p2, p1;
	p3 =	por !p3, p1  }
0xbe: {  	[sflag:s0] =	ssyncadd.s32 @!p1 $0xFFFFFFFF;
	v3 =	vimm.s32 @!p2 $0xFFFFFFFF;
	s6 =	simm.s32 @p3 $0xF  }
0xbf: {  	[tilespmem:$0x80] =	vst @!p2 v3;
	s2 =	sadd.s32 @!p1 $0x90, s6  }
0xc0: {  	[spmem:s10] =	stream.linear.scatter @!p1 [tilespmem:s2], [sflag:$0x1], $0x1, $0x38;
	[tilespmem:$0xF030] =	vst v63  }
0xc1: {  	_ =	swait.ge @!p1 [sflag:s0], $0x1  }
0xc2: {  	[sflag:s0] =	ssyncset.done @!p1 $0x0  }
0xc3: {  	s2 =	simm.s32 @!p1 $0x80;
	[sflag:s0] =	ssyncadd.s32 @!p1 $0xFFFFFFFF  }
0xc4: {  	[spmem:s15] =	stream.linear.scatter @!p1 [tilespmem:s2], [sflag:$0x1], $0x1, $0x38;
	[tilespmem:$0xF030] =	vst v63  }
0xc5: {  	_ =	swait.ge @!p1 [sflag:s0], $0x1  }
0xc6: {  	[sflag:s0] =	ssyncset.done @!p1 $0x0  }
0xc7: {  	[sflag:s0] =	ssyncadd.s32 @!p1 $0xFFFFFFFF;
	(ifvalue) =	ssetifvalue $0xFFFFFFFF;
	v3 =	vld [tilespmem:s25+$0x10];
	_ =	sdelay $0x3  }
.Ltmp6:
0xc8: {  	_ = 	snop;
	(pc) =	sbr.rel .LBB2_9-.Ltmp6, $3  }
0xc9: {  	_ =	sdelay $0x1  }
0xca: {  	(ifvalue) =	ssetifvalue $0xFFFFFFFF  }
0xcb: {  	[hbm4b:s1+s16] =	stream.indirect_vreg.scatter [tilespmem:s29], [sflag:$0x9], $0x1, v3, vm0, $0x4038;
	[tilespmem:$0xF030] =	vst v63  }
.LBB2_10:
0xcc: {  	_ =	sfence.sel $0x180000  }
0xcd: {  	s0 =	simm.s32 $0x7;
	[bflag:$0x0] =	sbarrier.arrive $0xFFFF  }
0xce: {  	s26 =	simm.s32 $0x8;
	[sflag:s0] =	ssyncpa.u1 $0x1  }
0xcf: {  	s28 =	simm.s32 $0x9;
	[sflag:s26] =	ssyncpa.u1 $0x1  }
0xd0: {  	[sflag:s28] =	ssyncpa.u1 $0x1  }
0xd1: {  	_ =	sfence.stream.spmem  }
0xd2: {  	s29 =	simm.s32 $0x3;
	[bflag:$0x0] =	sbarrier.arrive $0xFFFF  }
0xd3: {  	s30 =	simm.s32 $0x4;
	[sflag:s29] =	ssyncpa.u1 $0x1  }
0xd4: {  	s31 =	simm.s32 $0x3C;
	s2 =	stileid.u32;
	[sflag:s30] =	ssyncpa.u1 $0x1  }
0xd5: {  	p0 =	sne.s32 s2, $0x0;
	[sflag:s31] =	ssyncpa.u1 $0x1  }
0xd6: {  	s0 =	simm.s32 @p0 $0x1;
	_ =	sfence @p0  }
0xd7: {  	[sflag:s0] =	ssyncpa.u1 @p0 $0x1;
	s0 =	simm.s32 @p0 $0x2  }
0xd8: {  	[sflag:s0] =	ssyncpa.u1 @p0 $0x1  }
0xd9: {  	_ =	strace @p0 $0x9000004A  }
0xda: {  	[bflag:$0x2] =	sbarrier.arrive @p0 $0xFFFF  }
0xdb: {  	_ =	shalt @p0  }
.LBB2_11:
0xdc: {  	_ =	sfence.stream.spmem;
	s0 =	simm.s32 $0x5  }
0xdd: {  	s2 =	simm.s32 $0x80;
	s3 =	simm.s32 $0xC0;
	[sflag:s0] =	ssyncpa.u1 $0x0  }
0xde: {  	[tilespmem:s3], [sflag:$0x5] =	stream.linear.gather [spmem:s2], $0x20, $0x38;
	[tilespmem:$0xF030] =	vst v63  }
0xdf: {  	s2 =	simm.s32 $0x0;
	s3 =	simm.s32 $0xE0  }
0xe0: {  	[tilespmem:s3], [sflag:$0x5] =	stream.linear.gather [spmem:s2], $0x20, $0x38;
	[tilespmem:$0xF030] =	vst v63  }
.Ltmp7:
0xe1: {  	_ = 	snop;
	(pc) =	sbr.rel .LBB2_12-.Ltmp7, $4  }
0xe2: {  	_ =	swait.ge [sflag:s0], $0x40  }
0xe3: {  	[sflag:s0] =	ssyncset.done $0x0  }
0xe4: {  	s31 =	simm.s32 $0x6;
	[sflag:s0] =	ssyncadd.s32 $0xFFFFFFC0  }
0xe5: {  	s4 =	simm.s32 $0x0;
	[sflag:s31] =	ssyncpa.u1 $0x0  }
.LBB2_17:
0xe6: {  	p0 =	sgt.u32 s5, $0x5F5E3FF  }
0xe7: {  	s0 =	sshrl.u32 @!p0 s5, $0x3  }
0xe8: {  	s5 =	sand.u32 @!p0 $0x7, s5;
	s6 =	simm.s32 @!p0 $0xB0;
	s0 =	sadd.s32 @!p0 s1, s0  }
0xe9: {  	[tilespmem:s6], [sflag:$0x6] =	stream.linear.gather @!p0 [hbm4b:s0+s5], $0x1, $0x38;
	[tilespmem:$0xF030] =	vst v63  }
0xea: {  	s0 =	simm.s32 @!p0 $0x6  }
0xeb: {  	_ =	swait.ge @!p0 [sflag:s0], $0x1  }
0xec: {  	[sflag:s0] =	ssyncset.done @!p0 $0x0  }
0xed: {  	[sflag:s0] =	ssyncadd.s32 @!p0 $0xFFFFFFFF  }
0xee: {  	v2 =	vmov @!p0 s4;
	v1 =	vld.msk @!p0 [tilespmem:$0xB0], $0x1;
	_ =	sdelay $0x3  }
0xef: {  	s0 =	simm.s32 @!p0 $0xE0  }
0xf0: {  	[tilespmem:v2+s0+$0x0], v1 =	vst.idx.ret.add.f32.msk @!p0 $0x1, v1  }
0xf1: {  	[tilespmem:s2+$0xC0] =	vst.msk $0x1, v0  }
0xf2: {  	v0 =	vld.msk [tilespmem:s4+$0xE0], $0x1;
	_ =	sdelay $0x4  }
0xf3: {  	[tilespmem:s2+$0xE0] =	vst.msk $0x1, v0;
	s2 =	sadd.s32 $0x1, s2  }
.LBB2_19:
0xf4: {  	s4 =	sadd.s32 $0x1, s4  }
0xf5: {  	p0 =	sne.s32 s4, $0x20  }
.Ltmp8:
0xf6: {  	_ = 	snop;
	(pc) =	sbr.rel @!p0 .LBB2_20-.Ltmp8, $1  }
0xf7: {  	_ =	sdelay $0x3  }
.LBB2_12:
0xf8: {  	v0 =	vld.msk [tilespmem:s4+$0xC0], $0x1;
	_ =	sdelay $0x4  }
0xf9: {  	(v2sf) =	vpush v0, $0x0;
	_ =	sdelay $0xe  }
0xfa: {  	s5 =	spop (v2sf)  }
0xfb: {  	p0 =	seq.s32 s5, $0xFFFFFFFF  }
.Ltmp9:
0xfc: {  	_ = 	snop;
	(pc) =	sbr.rel @p0 .LBB2_19-.Ltmp9, $1  }
0xfd: {  	_ =	sdelay $0x3  }
0xfe: {  	p0 =	slt.s32 s2, $0x1  }
.Ltmp10:
0xff: {  	_ = 	snop;
	(pc) =	sbr.rel @p0 .LBB2_17-.Ltmp10, $1  }
0x100: {  	_ =	sdelay $0x3  }
0x101: {  	s0 =	simm.s32 $0xC0;
	p0 =	por $0x0, $0x0  }
0x102: {  	v1 =	vld.msk @!p0 [tilespmem:s0+$0x0], $0x1;
	_ =	sdelay $0x4  }
0x103: {  	(v2sf) =	vpush @!p0 v1, $0x0;
	_ =	sdelay $0xd  }
0x104: {  	p2 =	sne.s32 s2, $0x1  }
.Ltmp11:
0x105: {  	s6 =	spop @!p0 (v2sf);
	(pc) =	sbr.rel @!p2 .LBB2_16-.Ltmp11, $4  }
0x106: {  	p1 =	seq.s32 @!p0 s5, s6  }
0x107: {  	s6 =	simm.s32 $0x0;
	p1 =	por !p1, p0  }
0x108: {  	s8 =	simm.s32 $0xFFFFFFFF;
	s6 =	simm.s32 @p1 $0xFFFFFFFF  }
0x109: {  	s7 =	simm.s32 $0x1;
	s6 =	smov.u32 @p0 s8  }
.LBB2_15:
0x10a: {  	s8 =	smov.u32 s6;
	p0 =	sne.s32 s6, $0xFFFFFFFF  }
0x10b: {  	s0 =	sadd.s32 $0x1, s0;
	s6 =	smov.u32 s7;
	s7 =	sadd.s32 $0x1, s7  }
0x10c: {  	p1 =	sne.s32 s2, s7;
	v1 =	vld.msk @!p0 [tilespmem:s0+$0x0], $0x1;
	_ =	sdelay $0x4  }
0x10d: {  	(v2sf) =	vpush @!p0 v1, $0x0;
	_ =	sdelay $0xe  }
.Ltmp12:
0x10e: {  	s9 =	spop @!p0 (v2sf);
	(pc) =	sbr.rel @p1 .LBB2_15-.Ltmp12, $4  }
0x10f: {  	p2 =	seq.s32 @!p0 s5, s9  }
0x110: {  	p2 =	por !p2, p0  }
0x111: {  	s6 =	simm.s32 @p2 $0xFFFFFFFF  }
0x112: {  	s6 =	smov.u32 @p0 s8  }
.LBB2_16:
0x113: {  	p0 =	sne.s32 s6, $0xFFFFFFFF  }
.Ltmp13:
0x114: {  	_ = 	snop;
	(pc) =	sbr.rel @!p0 .LBB2_17-.Ltmp13, $1  }
0x115: {  	_ =	sdelay $0x3  }
0x116: {  	v0 =	vld.msk [tilespmem:s4+$0xE0], $0x1;
	v1 =	vmov s6  }
.Ltmp14:
0x117: {  	_ = 	snop;
	(pc) =	sbr.rel .LBB2_19-.Ltmp14, $2  }
0x118: {  	_ =	sdelay $0x2  }
0x119: {  	[tilespmem:v1+s3+$0x0], v0 =	vst.idx.ret.add.f32.msk $0x1, v0  }
.LBB2_20:
0x11a: {  	p0 =	slt.s32 s2, $0x1  }
.Ltmp15:
0x11b: {  	_ = 	snop;
	(pc) =	sbr.rel @p0 .LBB2_24-.Ltmp15, $3  }
0x11c: {  	_ =	sdelay $0x1  }
0x11d: {  	s0 =	simm.s32 $0x6  }
0x11e: {  	s3 =	simm.s32 $0x0;
	[sflag:s0] =	ssyncpa.u1 $0x1  }
0x11f: {  	s0 =	simm.s32 $0xC0  }
0x120: {  	v0 =	vld.msk [tilespmem:s0+$0x0], $0x1;
	_ =	sdelay $0x4  }
0x121: {  	(v2sf) =	vpush v0, $0x0;
	_ =	sdelay $0xe  }
0x122: {  	s2 =	sadd.s32 $0xFFFFFFFF, s2;
	s4 =	spop (v2sf)  }
0x123: {  	p1 =	sne.s32 s2, $0x0;
	p0 =	sgt.u32 s4, $0x5F5E3FF  }
.Ltmp16:
0x124: {  	s5 =	sshrl.u32 @!p0 s4, $0x3;
	(pc) =	sbr.rel @!p1 .LBB2_23-.Ltmp16, $4  }
0x125: {  	s0 =	simm.s32 $0xE0;
	s4 =	sand.u32 @!p0 $0x7, s4;
	s5 =	sadd.s32 @!p0 s1, s5  }
0x126: {  	[hbm4b:s5+s4] =	stream.linear.scatter @!p0 [tilespmem:s0], [sflag:$0x5], $0x1, $0x38;
	[tilespmem:$0xF030] =	vst v63  }
0x127: {  	s5 =	simm.s32 $0x0  }
0x128: {  	s4 =	simm.s32 $0xC1;
	s5 =	simm.s32 @!p0 $0x4  }
.LBB2_22:
0x129: {  	v0 =	vld.msk [tilespmem:s4+$0x0], $0x1;
	s2 =	sadd.s32 $0xFFFFFFFF, s2;
	s3 =	sadd.s32 s3, s5  }
0x12a: {  	p0 =	sne.s32 s2, $0x0;
	_ =	sdelay $0x3  }
0x12b: {  	(v2sf) =	vpush v0, $0x0;
	_ =	sdelay $0xe  }
.Ltmp17:
0x12c: {  	s6 =	spop (v2sf);
	(pc) =	sbr.rel @p0 .LBB2_22-.Ltmp17, $4  }
0x12d: {  	s5 =	simm.s32 $0x0;
	p1 =	sgt.u32 s6, $0x5F5E3FF  }
0x12e: {  	s0 =	sadd.s32 $0x1, s0;
	s5 =	simm.s32 @!p1 $0x4;
	s7 =	sshrl.u32 @!p1 s6, $0x3  }
0x12f: {  	s4 =	sadd.s32 $0x1, s4;
	s6 =	sand.u32 @!p1 $0x7, s6;
	s7 =	sadd.s32 @!p1 s1, s7  }
0x130: {  	[hbm4b:s7+s6] =	stream.linear.scatter @!p1 [tilespmem:s0], [sflag:$0x5], $0x1, $0x38;
	[tilespmem:$0xF030] =	vst v63  }
.LBB2_23:
0x131: {  	s0 =	sadd.s32 s3, s5  }
0x132: {  	s3 =	sshrl.u32 s0, $0x2  }
.LBB2_24:
0x133: {  	s0 =	simm.s32 $0x5  }
0x134: {  	_ =	swait.ge [sflag:s0], s3  }
0x135: {  	s1 =	ssub.s32 $0x0, s3;
	[sflag:s0] =	ssyncset.done $0x0  }
0x136: {  	[sflag:s0] =	ssyncadd.s32 s1  }
0x137: {  	[sflag:s0] =	ssyncpa.u1 $0x1  }
0x138: {  	s29 =	simm.s32 $0x1;
	_ =	sfence  }
0x139: {  	s30 =	simm.s32 $0x2;
	[sflag:s29] =	ssyncpa.u1 $0x1  }
0x13a: {  	[sflag:s30] =	ssyncpa.u1 $0x1  }
0x13b: {  	_ =	strace $0x9000004A  }
0x13c: {  	[bflag:$0x2] =	sbarrier.arrive $0xFFFF  }
0x13d: {  	s31 =	rddreg [dreg:$0x1]  }
0x13e: {  	s0 =	sadd.s32 $0x100000, s31  }
0x13f: {  	[sflag:s0] =	ssyncadd.tile.s32 $0x1;
	_ =	shalt  }
.Lfunc_end2:
_tile_overlayer_lowered:
.L_overlay_start_2:
0x140: {  	(tag) =	ssettag $0x2  }
0x141: {  	s0 =	rddreg [dreg:$0x0];
	s2 =	stileid.u32  }
0x142: {  	s1 =	rddreg [dreg:$0x1];
	p0 =	sne.s32 s2, $0x0  }
0x143: {  	s3 =	rddreg [dreg:$0x2];
	[bflag:$0x3] =	sbarrier.arrive $0xFFFF;
	s2 =	simm.s32 @!p0 $0x1C01  }
0x144: {  	[timem:s3], [sflag:s2] =	dma.local @!p0 [hbm:s0], s1  }
0x145: {  	s0 =	simm.s32 @!p0 $0x1  }
0x146: {  	_ =	swait.ge @!p0 [sflag:s0], s1  }
0x147: {  	s1 =	ssub.s32 @!p0 $0x0, s1;
	[sflag:s0] =	ssyncset.done @!p0 $0x0  }
0x148: {  	[sflag:s0] =	ssyncadd.s32 @!p0 s1  }
0x149: {  	[bflag:$0x3] =	sbarrier.arrive $0xFFFF  }
0x14a: {  	_ =	shalt  }

// kernel: scatter_offload_async_start
scs
__scs_entry_jumppad:
0x0: {  	(pc) =	sbr.rel $0x88, $3  }
0x1: {  	(tag) =	ssettag $0x0;
	lr =	simm.s32 $0x1  }
0x2: {  	[smem:$0x3F87] =	sst lr;
	_ =	strace $0xD0000000  }
0x3: {  	_ = 	snop  }
0x4: {  	_ = 	snop  }
0x5: {  	_ = 	snop  }
0x6: {  	_ = 	snop  }
0x7: {  	_ = 	snop  }
__scs_overlays_trampoline_lowered:
0x8: {  	[smem:$0x3F96] =	sst s0  }
0x9: {  	[smem:$0x3F97] =	sst s1  }
0xa: {  	[smem:$0x3F98] =	sst s2  }
0xb: {  	[smem:$0x3F99] =	sst s3  }
0xc: {  	[smem:$0x3F9A] =	sst s4  }
0xd: {  	[smem:$0x3F9B] =	sst s5  }
0xe: {  	[smem:$0x3F9C] =	sst s6  }
0xf: {  	[smem:$0x3F9D] =	sst s7  }
0x10: {  	[smem:$0x3F9E] =	sst s8  }
0x11: {  	[smem:$0x3F9F] =	sst s9;
	s0 =	simm.s32 @!p0 $0x0  }
0x12: {  	s1 =	sld [smem:$0x3F85];
	s0 =	simm.s32 @p0 $0x1  }
0x13: {  	[smem:$0x3FA0] =	sst s0;
	s0 =	simm.s32 @!p1 $0x0  }
0x14: {  	s2 =	sld [smem:$0x3F84];
	s0 =	simm.s32 @p1 $0x1  }
0x15: {  	[smem:$0x3FA1] =	sst s0;
	s0 =	simm.s32 @!p2 $0x0  }
0x16: {  	s3 =	sld [smem:$0x3FDB];
	s0 =	simm.s32 @p2 $0x1  }
0x17: {  	s4 =	simm.s32 $0x1BF5;
	[smem:$0x3FA3] =	sst s0  }
0x18: {  	s0 =	sld [smem:$0x3F86];
	_ =	swait.ge [sflag:s4], $0x0  }
0x19: {  	s7 =	sld [smem:$0x3F87]  }
0x1a: {  	s8 =	sadd.s32 $0xFFFFE003, lr  }
0x1b: {  	s9 =	sadd.s32 $0xFFFFFEF7, lr;
	s5 =	simm.s32 $0xFFFFFFFF;
	p2 =	slt.u32 s8, $0xFFFFF086  }
0x1c: {  	p1 =	slt.u32 s9, $0xF7A;
	s5 =	simm.s32 @!p2 $0x0  }
0x1d: {  	s5 =	simm.s32 @p1 $0x1;
	p0 =	seq.s32 s7, s2  }
0x1e: {  	s7 =	smul.u32 @!p0 $0xF7A, s2;
	p2 =	seq.s32 @!p0 s5, $0x0  }
0x1f: {  	s9 =	smul.u32 $0xF7A, s1;
	s8 =	simm.s32 @!p0 $0x1BF5;
	p2 =	por !p2, p0  }
0x20: {  	[sflag:s8] =	ssyncset.s32 @!p0 $0xFFFFF086;
	s6 =	sadd.s32 @!p0 s3, s7;
	s7 =	simm.s32 @!p0 $0x108  }
0x21: {  	s3 =	sadd.s32 s3, s9;
	s6 =	sadd.s32 @!p0 $0x88, s6;
	s7 =	simm.s32 @p2 $0x1082  }
0x22: {  	[simem:s7], [sflag:s8] =	dma.local @!p0 [hbm:s6], $0xF7A  }
0x23: {  	s9 =	sor.u32 $0xD0000000, s2;
	s6 =	simm.s32 $0x108;
	_ =	swait.ge @!p0 [sflag:s8], $0x0  }
0x24: {  	s3 =	sadd.s32 $0x88, s3;
	s6 =	simm.s32 @!p1 $0x1082;
	[sflag:s4] =	ssyncset.s32 $0xFFFFF086  }
0x25: {  	[simem:s6], [sflag:s4] =	dma.local [hbm:s3], $0xF7A  }
0x26: {  	[smem:$0x3F87] =	sst s1;
	(tag) =	ssettag s2;
	_ =	strace s9  }
0x27: {  	s1 =	sld [smem:$0x3F97]  }
0x28: {  	s2 =	sld [smem:$0x3F98]  }
0x29: {  	s4 =	sld [smem:$0x3F9A]  }
0x2a: {  	p0 =	seq.s32 s5, $0x0;
	s5 =	sld [smem:$0x3F9B]  }
0x2b: {  	s6 =	sld [smem:$0x3F9C]  }
0x2c: {  	s7 =	sld [smem:$0x3F9D]  }
0x2d: {  	s3 =	simm.s32 $0x108;
	s8 =	sld [smem:$0x3F9E]  }
0x2e: {  	s3 =	simm.s32 @!p0 $0x1082;
	s9 =	sld [smem:$0x3F9F]  }
0x2f: {  	lr =	sadd.s32 s0, s3;
	s0 =	sld [smem:$0x3F96]  }
0x30: {  	s3 =	sld [smem:$0x3F99]  }
0x31: {  	[smem:$0x3FA2] =	sst s10  }
0x32: {  	s10 =	sld [smem:$0x3FA0];
	_ =	sdelay $0x3  }
0x33: {  	p0 =	seq.s32 s10, $0x1;
	s10 =	sld [smem:$0x3FA2];
	_ =	sdelay $0x3  }
0x34: {  	[smem:$0x3FA2] =	sst s10  }
0x35: {  	s10 =	sld [smem:$0x3FA1];
	_ =	sdelay $0x3  }
0x36: {  	p1 =	seq.s32 s10, $0x1;
	s10 =	sld [smem:$0x3FA2];
	_ =	sdelay $0x3  }
0x37: {  	[smem:$0x3FA2] =	sst s10  }
0x38: {  	s10 =	sld [smem:$0x3FA3]  }
0x39: {  	_ = 	snop;
	(pc) =	sbr.ind lr, $3  }
0x3a: {  	_ = 	snop  }
0x3b: {  	_ = 	snop  }
0x3c: {  	p2 =	seq.s32 s10, $0x1;
	s10 =	sld [smem:$0x3FA2]  }
0x3d: {  	_ =	shalt  }
0x3e: {  	_ =	shalt  }
0x3f: {  	_ =	shalt  }
0x40: {  	_ =	shalt  }
0x41: {  	_ =	shalt  }
0x42: {  	_ =	shalt  }
0x43: {  	_ =	shalt  }
0x44: {  	_ =	shalt  }
0x45: {  	_ =	shalt  }
0x46: {  	_ =	shalt  }
0x47: {  	_ =	shalt  }
0x48: {  	_ =	shalt  }
0x49: {  	_ =	shalt  }
0x4a: {  	_ =	shalt  }
0x4b: {  	_ =	shalt  }
0x4c: {  	_ =	shalt  }
0x4d: {  	_ =	shalt  }
0x4e: {  	_ =	shalt  }
0x4f: {  	_ =	shalt  }
0x50: {  	_ =	shalt  }
0x51: {  	_ =	shalt  }
0x52: {  	_ =	shalt  }
0x53: {  	_ =	shalt  }
0x54: {  	_ =	shalt  }
0x55: {  	_ =	shalt  }
0x56: {  	_ =	shalt  }
0x57: {  	_ =	shalt  }
0x58: {  	_ =	shalt  }
0x59: {  	_ =	shalt  }
0x5a: {  	_ =	shalt  }
0x5b: {  	_ =	shalt  }
0x5c: {  	_ =	shalt  }
0x5d: {  	_ =	shalt  }
0x5e: {  	_ =	shalt  }
0x5f: {  	_ =	shalt  }
0x60: {  	_ =	shalt  }
0x61: {  	_ =	shalt  }
0x62: {  	_ =	shalt  }
0x63: {  	_ =	shalt  }
0x64: {  	_ =	shalt  }
0x65: {  	_ =	shalt  }
0x66: {  	_ =	shalt  }
0x67: {  	_ =	shalt  }
0x68: {  	_ =	shalt  }
0x69: {  	_ =	shalt  }
0x6a: {  	_ =	shalt  }
0x6b: {  	_ =	shalt  }
0x6c: {  	_ =	shalt  }
0x6d: {  	_ =	shalt  }
0x6e: {  	_ =	shalt  }
0x6f: {  	_ =	shalt  }
0x70: {  	_ =	shalt  }
0x71: {  	_ =	shalt  }
0x72: {  	_ =	shalt  }
0x73: {  	_ =	shalt  }
0x74: {  	_ =	shalt  }
0x75: {  	_ =	shalt  }
0x76: {  	_ =	shalt  }
0x77: {  	_ =	shalt  }
0x78: {  	_ =	shalt  }
0x79: {  	_ =	shalt  }
0x7a: {  	_ =	shalt  }
0x7b: {  	_ =	shalt  }
0x7c: {  	_ =	shalt  }
0x7d: {  	_ =	shalt  }
0x7e: {  	_ =	shalt  }
0x7f: {  	_ =	shalt  }
0x80: {  	_ =	shalt  }
0x81: {  	_ =	shalt  }
0x82: {  	_ =	shalt  }
0x83: {  	_ =	shalt  }
0x84: {  	_ =	shalt  }
0x85: {  	_ =	shalt  }
0x86: {  	_ =	shalt  }
0x87: {  	_ =	shalt  }
.Lfunc_end0:
.L_simem_size_0:
called_computation_lowered:
.L_overlay_start_0:
0x88: {  	s0 =	sld [smem:$0x3FD9]  }
0x89: {  	s1 =	sld [smem:$0x3FFE];
	_ =	sdelay $0x3  }
0x8a: {  	s0 =	sadd.s32 s1, s0  }
0x8b: {  	[smem:$0x3FAE] =	sst s0  }
0x8c: {  	_ = 	snop  }
0x8d: {  	(tm) =	ssettm $0x1  }
0x8e: {  	s15 =	sld [smem:$0x3FFB];
	_ =	sdelay $0x3  }
0x8f: {  	_ =	strace s15  }
0x90: {  	s0 =	sld [smem:$0x3FFC];
	_ =	sdelay $0x3  }
0x91: {  	_ =	strace s0  }
0x92: {  	s0 =	sld [smem:$0x3FFD];
	_ =	sdelay $0x3  }
0x93: {  	_ =	strace s0  }
0x94: {  	_ =	strace $0x8FFFFFFF  }
0x95: {  	s16 =	sld [smem:$0x3FDB];
	_ =	sdelay $0x1  }
0x96: {  	s17 =	simm.s32 $_scs_section_size  }
0x97: {  	s2 =	simm.s32 $_size__tile_overlayer_lowered;
	s3 =	simm.s32 $_tile_overlayer_lowered  }
0x98: {  	s20 =	simm.s32 $0x1BFF;
	s19 =	sshll.u32 s3, $0x1;
	s0 =	sadd.s32 s17, s16  }
0x99: {  	s4 =	simm.s32 $0x0;
	s18 =	sshll.u32 s2, $0x1;
	s2 =	sadd.s32 s19, s0  }
0x9a: {  	[timem:s4], [sflag:s20] =	dma.local [hbm:s2], s18  }
0x9b: {  	_ =	swait.ge [sflag:s20], s18  }
0x9c: {  	s1 =	ssub.s32 $0x0, s18;
	[sflag:s20] =	ssyncset.done $0x0  }
0x9d: {  	[sflag:s20] =	ssyncadd.s32 s1;
	_ =	sdelay $0x1  }
0x9e: {  	s21 =	simm.s32 $0x1B8B  }
0x9f: {  	_ =	swait.ge [sflag:s21], $0x1  }
0xa0: {  	[sflag:s21] =	ssyncset.done $0x0  }
0xa1: {  	s23 =	simm.s32 $0x1B8E;
	s22 =	sld [smem:$0x3FFE];
	[sflag:s21] =	ssyncadd.s32 $0xFFFFFFFF  }
0xa2: {  	s24 =	simm.s32 $execute0_lowered;
	[smem:$0x3FD2] =	sst s23  }
0xa3: {  	s2 =	sshll.u32 s24, $0x1;
	_ =	strace $0x80000046;
	[dreg:$0x1] =	wrdreg $0xFFFFFFFF  }
0xa4: {  	s25 =	simm.s32 $_size_execute0_lowered;
	s0 =	sadd.s32 s0, s2;
	[dreg:$0x0] =	wrdreg $0x0  }
0xa5: {  	s2 =	sshll.u32 s25, $0x1;
	[dreg:$0x2] =	wrdreg s0  }
0xa6: {  	[dreg:$0x3] =	wrdreg s2  }
0xa7: {  	[dreg:$0x4] =	wrdreg $0xC0  }
0xa8: {  	_ =	task [dreg:s4], $0x5FFFF  }
0xa9: {  	[dreg:$0x1] =	wrdreg $0xFFFFFFFF  }
0xaa: {  	[dreg:$0x0] =	wrdreg $0x60  }
0xab: {  	[dreg:$0x2] =	wrdreg s22  }
0xac: {  	[dreg:$0x3] =	wrdreg $0x9  }
0xad: {  	_ =	task.clear_ibuf [dreg:s4], $0x4FFFF;
	_ =	strace $0x90000046  }
0xae: {  	s26 =	simm.s32 $0x9;
	_ =	strace $0x80000048  }
0xaf: {  	_ =	swait.ge [sflag:s26], $0x1  }
0xb0: {  	[sflag:s26] =	ssyncadd.s32 $0xFFFFFFFF  }
0xb1: {  	_ =	strace $0x90000048  }
0xb2: {  	_ =	sfence  }
0xb3: {  	s28 =	sld [smem:$0x0];
	_ =	sdelay $0x1  }
0xb4: {  	s29 =	srdreg.scid  }
0xb5: {  	s30 =	sshll.u32 s29, $0xD;
	s31 =	sshrl.u32 s29, $0x2  }
0xb6: {  	s1 =	sand.u32 $0x1, s29;
	s2 =	sand.u32 $0x4000, s30;
	s0 =	sadd.s32 s31, s28  }
0xb7: {  	s1 =	sor.u32 s2, s1;
	s0 =	sshll.u32 s0, $0x11  }
0xb8: {  	s0 =	sor.u32 s0, s1  }
0xb9: {  	s0 =	sadd.s32 $0x8F2B, s0  }
0xba: {  	[sflag:s0] =	ssyncadd.remote.s32 $0x1  }
0xbb: {  	_ =	sfence.sel $0xFFFF  }
0xbc: {  	[dreg:$0x0] =	wrdreg $0xFFFFFFFF;
	(pc) =	sbr.abs _section_cstart, $3  }
0xbd: {  	[dreg:$0x1] =	wrdreg $0xFFFFFFFF  }
0xbe: {  	_ =	task.clear_ibuf [dreg:s4], $0x2FFFF;
	_ =	strace $0x9FFFFFFF  }
0xbf: {  	(tm) =	ssettm $0x7FFFFFFF  }
tec
execute0_lowered:
.L_overlay_start_1:
0x0: {  	(tag) =	ssettag $0x1  }
0x1: {  	s0 =	rddreg [dreg:$0x0]  }
0x2: {  	s6 =	stileid.u32;
	_ =	strace $0x80000047;
	s2 =	simm.s32 $0x1  }
0x3: {  	v1 =	vimm.s32 $0xFFFFFFFF;
	s1 =	smin.u32 s6, $0x9;
	[sflag:s2] =	ssyncpa.u1 $0x0  }
0x4: {  	s1 =	sadd.s32 s6, s1;
	[tilespmem:$0x10] =	vst v1  }
0x5: {  	v0 =	vimm.f32 $0.0e+00;
	p0 =	slt.u32 s6, $0x9;
	[tilespmem:$0x20] =	vst v1;
	s3 =	smul.u32 $0x1A90, s1;
	s1 =	simm.s32 $0x3520  }
0x6: {  	[tilespmem:$0x30] =	vst v0;
	s1 =	simm.s32 @!p0 $0x1A90  }
0x7: {  	[tilespmem:$0x40] =	vst v0;
	s1 =	sadd.s32 s1, s3  }
0x8: {  	[tilespmem:$0x50] =	vst v0;
	s4 =	smin.u32 s1, $0x29810  }
0x9: {  	s7 =	simm.s32 $0x2;
	[tilespmem:$0x60] =	vst v1;
	s9 =	ssub.s32 s4, s3  }
0xa: {  	s8 =	simm.s32 $0x8;
	s31 =	simm.s32 $0x9;
	[tilespmem:$0x70] =	vst v1;
	p0 =	sgt.s32 s9, $0x0  }
0xb: {  	s16 =	simm.s32 $0x0;
	s17 =	simm.s32 $0xF0;
	[tilespmem:$0x80] =	vst v1;
	s9 =	simm.s32 @!p0 $0x0  }
0xc: {  	s18 =	simm.s32 $0xFFFFFFFF;
	s19 =	simm.s32 $0xFFFFCBE0;
	v1 =	vimm.s32 $0x0;
	[tilespmem:$0xB0] =	vst v0;
	s5 =	smulhi.u32 $0x134679AD, s9  }
0xd: {  	s20 =	simm.s32 $0xFFFFFFFE;
	s21 =	simm.s32 $0xF;
	s25 =	simm.s32 $0x0;
	[tilespmem:$0x90] =	vst v1  }
0xe: {  	[tilespmem:$0xA0] =	vst v1;
	[sflag:s7] =	ssyncpa.u1 $0x0;
	s7 =	simm.s32 $0x7;
	s10 =	sshrl.u32 s5, $0x9  }
0xf: {  	s24 =	simm.s32 $0x0;
	[sflag:s7] =	ssyncpa.u1 $0x0;
	s11 =	smul.u32 $0x1A90, s10  }
0x10: {  	s14 =	sshllo.u32 s6, $0x1;
	[sflag:s8] =	ssyncpa.u1 $0x0;
	s23 =	smov.u32 s3  }
.Ltmp0:
0x11: {  	s1 =	sadd.s32 $0x9E000, s0;
	p0 =	sne.s32 s9, s11;
	(pc) =	sbr.rel .LBB2_1-.Ltmp0, $4  }
0x12: {  	s5 =	sadd.s32 $0x3FE800, s0;
	s0 =	sadd.s32 $0x403C00, s0;
	s2 =	simm.s32 @!p0 $0x0  }
0x13: {  	[sflag:s31] =	ssyncpa.u1 $0x0;
	[dreg:$0x2] =	wrdreg s0;
	s9 =	sadd.s32 s2, s10  }
0x14: {  	vm0 =	vmmov $0xffff;
	v2 =	vlaneseq.u32;
	p0 =	por $0x0, $0x0;
	s10 =	sshll.u32 s6, $0x1;
	s11 =	sadd.s32 $0x1, s9  }
0x15: {  	vm1 =	vmxor vm1, vm1;
	vm2 =	vmmov $0x1;
	vm3 =	vcmask $0x3F3C;
	s12 =	sadd.s32 $0x2, s9;
	s13 =	sor.u32 $0x81, s10;
	s15 =	sor.u32 $0x80, s10  }
.LBB2_9:
0x16: {  	p1 =	slt.u32 s24, $0x3  }
0x17: {  	s0 =	simm.s32 @!p1 $0x2  }
0x18: {  	_ =	swait.ge @!p1 [sflag:s0], $0x1A90  }
0x19: {  	[sflag:s0] =	ssyncset.done @!p1 $0x0  }
0x1a: {  	[sflag:s0] =	ssyncadd.s32 @!p1 $0xFFFFE570;
	s0 =	simm.s32 @!p1 $0x9  }
0x1b: {  	_ =	swait.ge @!p1 [sflag:s0], $0x10  }
0x1c: {  	[sflag:s0] =	ssyncset.done @!p1 $0x0  }
0x1d: {  	[sflag:s0] =	ssyncadd.s32 @!p1 $0xFFFFFFF0;
	p1 =	sne.s32 s24, s12  }
.Ltmp1:
0x1e: {  	s2 =	sadd.s32 $0x1A90, s23;
	(pc) =	sbr.rel @!p1 .LBB2_10-.Ltmp1, $4  }
0x1f: {  	s6 =	smov.u32 s3;
	s31 =	sadd.s32 $0x1, s24;
	s17 =	sadd.s32 $0x1A90, s17  }
0x20: {  	s18 =	sadd.s32 $0x1, s18;
	s25 =	smov.u32 s23;
	p2 =	slt.s32 s2, s4  }
0x21: {  	p0 =	por !p0, !p0;
	s19 =	sadd.s32 $0x1A90, s19;
	s6 =	smov.u32 @p2 s2  }
0x22: {  	s20 =	sadd.s32 $0x1, s20;
	s23 =	smov.u32 s6;
	s24 =	smov.u32 s31  }
.LBB2_1:
0x23: {  	p1 =	sge.u32 s24, s9  }
0x24: {  	s0 =	smulhi.u32 @!p1 $0xAAAAAAAB, s24;
	_ =	sdelay $0x1  }
0x25: {  	s0 =	sshrl.u32 @!p1 s0, $0x1  }
0x26: {  	s0 =	smul.u32 @!p1 $0x3, s0;
	_ =	sdelay $0x1  }
0x27: {  	s0 =	ssub.s32 @!p1 s24, s0  }
0x28: {  	s0 =	smul.u32 @!p1 $0x6A40, s0;
	_ =	sdelay $0x1  }
0x29: {  	s2 =	sshrl.u32 @!p1 s23, $0x3;
	s0 =	sshrl.u32 @!p1 s0, $0x2  }
0x2a: {  	s22 =	sand.u32 @!p1 $0x7, s23;
	s2 =	sadd.s32 @!p1 s5, s2;
	s0 =	sadd.s32 @!p1 $0x100, s0  }
0x2b: {  	[tilespmem:s0], [sflag:$0x7] =	stream.linear.gather @!p1 [hbm4b:s2+s22], $0x1A90, $0x38;
	[tilespmem:$0xF030] =	vst v63  }
0x2c: {  	s0 =	sadd.s32 $0xFFFFFFFF, s24  }
0x2d: {  	p1 =	sge.u32 s0, s9  }
.Ltmp2:
0x2e: {  	_ = 	snop;
	(pc) =	sbr.rel @p1 .LBB2_5-.Ltmp2, $1  }
0x2f: {  	_ =	sdelay $0x3  }
0x30: {  	s2 =	smulhi.u32 $0xAAAAAAAB, s0;
	_ =	sdelay $0x1  }
0x31: {  	s2 =	sshrl.u32 s2, $0x1  }
0x32: {  	s2 =	smul.u32 $0x3, s2;
	_ =	sdelay $0x1  }
0x33: {  	s2 =	ssub.s32 s0, s2  }
0x34: {  	s2 =	smul.u32 $0x6A40, s2  }
0x35: {  	_ =	swait.ge [sflag:s7], $0x1A90  }
0x36: {  	[sflag:s7] =	ssyncset.done $0x0;
	s2 =	sshrl.u32 s2, $0x2  }
0x37: {  	[sflag:s7] =	ssyncadd.s32 $0xFFFFE570;
	(ifvalue) =	ssetifvalue $0xFFFFFFFF;
	v3 =	vld.msk [tilespmem:s2+$0x100 ss:$0x1], $0xffff;
	_ =	sdelay $0x2  }
0x38: {  	s30 =	smulhi.u32 $0xAAAAAAAB, s18;
	p1 =	sne.s32 s24, $0x1  }
0x39: {  	v4 =	vimm.s32 @!p1 $0x0  }
0x3a: {  	s2 =	sshrl.u32 s30, $0x1;
	v4 =	vperm.xlane @!p1 v3, v4  }
0x3b: {  	s22 =	sshll.u32 s24, $0x4;
	s2 =	smul.u32 $0xFFFEC140, s2;
	vm4 =	vlt.u32 v3, $0x2800  }
0x3c: {  	s22 =	sand.u32 $0x10, s22;
	v3 =	vnsel vm4, $0xFFFFFFFE, v3;
	vm4 =	vlt.u32 @!p1 v4, $0x2800  }
0x3d: {  	s2 =	sshra.s32 s2, $0x2;
	[tilespmem:s22+$0x60] =	vst v3;
	v3 =	vnsel @!p1 vm4, $0xFFFFFFFE, v4  }
0x3e: {  	s28 =	sadd.s32 s2, s17;
	[tilespmem:$0x80] =	vst @!p1 v3  }
0x3f: {  	v3 =	vld.msk [tilespmem:s28+$0x0 ss:$0x1], $0xffff;
	_ =	sdelay $0x4  }
0x40: {  	(xrf1) =	vunique.msk.u32 $0xffff, v3;
	_ =	sdelay $0xd  }
0x41: {  	v4 =	vimm.s32 $0xFFFFFFFF;
	v5, _, _ =	vpop (xrf1)  }
0x42: {  	vm5 =	vne.s32 v3, v4;
	vm4 =	veq.s32 v5, v2  }
0x43: {  	vm6 =	vlt.u32 v3, $0x2800;
	vm4 =	vmand vm5, vm4  }
0x44: {  	vm4 =	vmand vm6, vm4  }
0x45: {  	v4 =	vnsel vm4, $0xFFFFFFFF, v3  }
0x46: {  	s31 =	sand.u32 $0x1, s0  }
0x47: {  	s0 =	simm.s32 $0x1A90;
	p1 =	seq.s32 s31, $0x1  }
0x48: {  	s0 =	simm.s32 @!p1 $0x0  }
0x49: {  	s26 =	sadd.s32 $0x6B30, s0;
	(ifvalue) =	ssetifvalue $0xFFFFFFFF  }
0x4a: {  	v3 =	vperm.xlane v3, v1;
	[tilespmem:s26], [sflag:$0x8] =	stream.indirect_vreg.gather [hbm4b:s1+s16], $0x1, v4, vm0, $0x4038;
	v4 =	vnsel vm6, $0xFFFFFFFE, v4;
	[tilespmem:$0xF030] =	vst v63  }
0x4b: {  	s2 =	simm.s32 $0x0;
	s22 =	sadd.s32 $0xFFFFFFF0, s28;
	[tilespmem:s28+$0x0] =	vst v4  }
.LBB2_3:
0x4c: {  	v4 =	vld.msk [tilespmem:s22+$0x0 ss:$0x1], $0xffff;
	s2 =	sadd.s32 $0x10, s2;
	v5 =	vmov v3;
	s28 =	smov.u32 s22  }
0x4d: {  	p1 =	slt.u32 s2, $0x1A80;
	_ =	sdelay $0x4  }
0x4e: {  	v3 =	vperm.xlane v4, v1;
	(xrf1) =	vunique.msk.u32 $0xffff, v4;
	_ =	sdelay $0xd  }
0x4f: {  	v6, _, _ =	vpop (xrf1)  }
0x50: {  	vm5 =	vne.s32 v4, v5;
	vm4 =	veq.s32 v6, v2  }
0x51: {  	vm6 =	vlt.u32 v4, $0x2800;
	vm4 =	vmand vm5, vm4  }
0x52: {  	vm4 =	vmand vm6, vm4  }
0x53: {  	v4 =	vnsel vm4, $0xFFFFFFFF, v4  }
.Ltmp3:
0x54: {  	v5 =	vnsel vm6, $0xFFFFFFFE, v4;
	(pc) =	sbr.rel @p1 .LBB2_3-.Ltmp3, $3  }
0x55: {  	_ =	sdelay $0x1  }
0x56: {  	s22 =	sadd.s32 $0xFFFFFFF0, s22;
	s26 =	sadd.s32 $0xFFFFFFF0, s26;
	(ifvalue) =	ssetifvalue $0xFFFFFFFF  }
0x57: {  	[tilespmem:s26], [sflag:$0x8] =	stream.indirect_vreg.gather [hbm4b:s1+s16], $0x1, v4, vm0, $0x4038;
	[tilespmem:s28+$0x0] =	vst v5  }
0x58: {  	s2 =	sshrl.u32 s25, $0x3;
	s6 =	rddreg [dreg:$0x2]  }
0x59: {  	s0 =	sadd.s32 $0x85D0, s0;
	s2 =	sadd.s32 s6, s2  }
0x5a: {  	[tilespmem:s0], [sflag:$0x8] =	stream.linear.gather [hbm:s2], $0x1A90, $0x38;
	[tilespmem:$0xF030] =	vst v63  }
.LBB2_5:
0x5b: {  	p1 =	slt.u32 s24, $0x2  }
0x5c: {  	p2 =	sge.u32 @!p1 s24, s12  }
0x5d: {  	p1 =	por p1, p2  }
.Ltmp4:
0x5e: {  	_ = 	snop;
	(pc) =	sbr.rel @p1 .LBB2_9-.Ltmp4, $1  }
0x5f: {  	_ =	sdelay $0x3  }
0x60: {  	s0 =	sadd.s32 $0xFFFFFFFE, s24  }
0x61: {  	s2 =	smulhi.u32 $0xAAAAAAAB, s0;
	_ =	sdelay $0x1  }
0x62: {  	s2 =	sshrl.u32 s2, $0x1  }
0x63: {  	s2 =	smul.u32 $0x3, s2;
	_ =	sdelay $0x1  }
0x64: {  	s0 =	ssub.s32 s0, s2  }
0x65: {  	_ =	swait.ge [sflag:s8], $0x3520;
	s0 =	smul.u32 $0x1A90, s0  }
0x66: {  	p1 =	sne.s32 s24, s11;
	[sflag:s8] =	ssyncset.done $0x0  }
0x67: {  	[sflag:s8] =	ssyncadd.s32 $0xFFFFCAE0;
	s2 =	sadd.s32 @!p1 $0x1B8F, s0  }
0x68: {  	[spmem:s13] =	stream.linear.scatter @!p1 [tilespmem:s2], [sflag:$0x1], $0x1, $0x38;
	[tilespmem:$0xF030] =	vst v63  }
0x69: {  	s2 =	simm.s32 @!p1 $0x1  }
0x6a: {  	_ =	swait.ge @!p1 [sflag:s2], $0x1  }
0x6b: {  	s22 =	sshll.u32 s24, $0x4;
	[sflag:s2] =	ssyncset.done @!p1 $0x0  }
0x6c: {  	s25 =	sand.u32 $0x10, s22;
	[sflag:s2] =	ssyncadd.s32 @!p1 $0xFFFFFFFF  }
0x6d: {  	s2 =	sxor.u32 $0x10, s25;
	v4 =	vld [tilespmem:s25+$0x10]  }
0x6e: {  	v5 =	vld [tilespmem:s2+$0x60]  }
0x6f: {  	v3 =	vld [tilespmem:$0x80];
	_ =	sdelay $0x2  }
0x70: {  	(v2sf) =	vpush v4, $0x0  }
0x71: {  	(v2sf) =	vpush v5, $0x0  }
0x72: {  	(v2sf) =	vpush v3, $0x0;
	_ =	sdelay $0xc  }
0x73: {  	s6 =	spop (v2sf)  }
0x74: {  	s28 =	spop (v2sf)  }
0x75: {  	s26 =	spop (v2sf)  }
0x76: {  	p2 =	seq.s32 s6, s28;
	p3 =	seq.s32 s26, s6  }
0x77: {  	p3 =	por p2, p3  }
0x78: {  	s6 =	sand.u32 $0x1, s24;
	v4 =	vpsel p3, $0xFFFFFFFF, v4  }
0x79: {  	s28 =	smul.u32 $0x1A90, s6;
	[tilespmem:s25+$0x10] =	vst.msk $0x1, v4  }
0x7a: {  	v4 =	vld [tilespmem:$0x30]  }
0x7b: {  	v5 =	vld [tilespmem:s28+$0x85D0]  }
0x7c: {  	v6 =	vld [tilespmem:s25+$0x40];
	_ =	sdelay $0x3  }
0x7d: {  	vm4 =	vmmov vm1;
	v5 =	vadd.f32 v5, v4  }
0x7e: {  	vm5 =	vmmov vm2;
	vm4 =	vmmov @p2 vm2;
	v4 =	vadd.f32 v6, v4  }
0x7f: {  	s22 =	sshll.u32 s6, $0x4;
	vm5 =	vmmov @p3 vm1;
	[tilespmem:s28+$0x85D0] =	vst.msk vm4, v5  }
0x80: {  	[tilespmem:s22+$0xF010] =	vst.msk vm5, v4  }
0x81: {  	v4 =	vld [tilespmem:s28+$0x6B30];
	_ =	sdelay $0x3  }
0x82: {  	v5 =	vimm.f32 $0.0e+00  }
0x83: {  	v4 =	vshift.insert v4, v5, s21  }
0x84: {  	s29 =	sor.u32 $0x40, s2  }
0x85: {  	[tilespmem:s29+$0x0] =	vst.msk $0x1, v4  }
0x86: {  	[tilespmem:s28+$0x6B3F] =	vst.msk $0x1, v5  }
0x87: {  	v4 =	vld [tilespmem:s0+$0x1B80];
	_ =	sdelay $0x1  }
0x88: {  	s29 =	smulhi.u32 $0xAAAAAAAB, s20;
	s0 =	simm.s32 $0x1  }
0x89: {  	s0 =	simm.s32 @!p0 $0x0  }
0x8a: {  	s29 =	sshrl.u32 s29, $0x1;
	s0 =	smul.u32 $0x6A40, s0  }
0x8b: {  	s29 =	smul.u32 $0xFFFEC140, s29;
	v4 =	vshift.insert v4, v1, s21  }
0x8c: {  	s0 =	sshrl.u32 s0, $0x2  }
0x8d: {  	s29 =	sshra.s32 s29, $0x2;
	s30 =	sadd.s32 $0x85D0, s0;
	[tilespmem:s2+$0x10] =	vst.msk $0x1, v4  }
0x8e: {  	s6 =	sadd.s32 s29, s19;
	v6 =	vld [tilespmem:s30+$0x0]  }
0x8f: {  	v7 =	vld [tilespmem:s6+$0x0];
	_ =	sdelay $0x3  }
0x90: {  	v5 =	vadd.f32 v6, v5  }
0x91: {  	vm4 =	vne.s32 v7, $0xFFFFFFFF  }
0x92: {  	(xrf2) =	vadd.seg.scan.f32 vm4, v5;
	_ =	sdelay $0x3  }
0x93: {  	s31 =	sadd.s32 $0x50B0, s0;
	v5 =	vperm.xlane v4, v1  }
0x94: {  	v6 =	vld [tilespmem:s31+$0x0]  }
0x95: {  	vm5 =	veq.s32 v7, v3;
	vm6 =	veq.s32 v7, v5  }
0x96: {  	vm7 =	vgt.u32 v7, $0xFFFFFFFD;
	vm6 =	vmor vm6, vm5  }
0x97: {  	vm6 =	vmor vm6, vm7  }
0x98: {  	v9 =	vld [tilespmem:$0xA0];
	v7 =	vsel vm6, $0xFFFFFFFF, v7  }
0x99: {  	v10 =	vld [tilespmem:$0x90];
	v6 =	vsel vm5, $0x0, v6;
	v8, _, _ =	vpop (xrf2)  }
0x9a: {  	v6 =	vadd.f32 v8, v6  }
0x9b: {  	s0 =	sadd.s32 $0xBAF0, s0  }
0x9c: {  	vm4 =	vmand vm4, vm3;
	[tilespmem:s0+$0x0] =	vst v6;
	(ifvalue) =	ssetifvalue $0xFFFFFFFF  }
0x9d: {  	vm6 =	veq.s32 v9, $0x1;
	[hbm4b:s1+s16] =	stream.indirect_vreg.scatter [tilespmem:s0], [sflag:$0x2], $0x1, v7, vm0, $0x4038;
	v7 =	vsel vm4, $0x0, v8;
	[tilespmem:$0xF030] =	vst v63  }
0x9e: {  	s29 =	sadd.s32 $0xF010, s22;
	s22 =	sadd.s32 $0x10, s6;
	s2 =	simm.s32 $0x0;
	vm4 =	vmor vm6, vm5;
	v6 =	vsel vm5, v8, v10;
	v7 =	vshift.insert v7, v0, s21  }
.LBB2_7:
0x9f: {  	v8 =	vld [tilespmem:s22+$0x0];
	s30 =	sadd.s32 $0x10, s30  }
0xa0: {  	s31 =	sadd.s32 $0x10, s31;
	v9 =	vld [tilespmem:s30+$0x0]  }
0xa1: {  	s2 =	sadd.s32 $0x10, s2;
	v10 =	vld [tilespmem:s31+$0x0]  }
0xa2: {  	p2 =	slt.u32 s2, $0x1A80;
	_ =	sdelay $0x2  }
0xa3: {  	v7 =	vadd.f32 v9, v7  }
0xa4: {  	vm5 =	vne.s32 v8, $0xFFFFFFFF  }
0xa5: {  	vm6 =	vmand vm5, vm3;
	(xrf2) =	vadd.seg.scan.f32 vm5, v7;
	_ =	sdelay $0x5  }
0xa6: {  	vm7 =	veq.s32 v8, v5;
	vm5 =	veq.s32 v8, v3  }
0xa7: {  	vm8 =	vgt.u32 v8, $0xFFFFFFFD;
	vm4 =	vmor vm4, vm5;
	vm7 =	vmor vm7, vm5  }
0xa8: {  	vm7 =	vmor vm7, vm8  }
0xa9: {  	v8 =	vsel vm7, $0xFFFFFFFF, v8  }
.Ltmp5:
0xaa: {  	v7 =	vsel vm5, $0x0, v10;
	v9, _, _ =	vpop (xrf2);
	(pc) =	sbr.rel @p2 .LBB2_7-.Ltmp5, $4  }
0xab: {  	v6 =	vsel vm5, v9, v6;
	v10 =	vadd.f32 v9, v7;
	v7 =	vsel vm6, $0x0, v9  }
0xac: {  	s0 =	sadd.s32 $0x10, s0;
	v7 =	vshift.insert v7, v0, s21  }
0xad: {  	s22 =	sadd.s32 $0x10, s22;
	[tilespmem:s0+$0x0] =	vst v10;
	(ifvalue) =	ssetifvalue $0xFFFFFFFF  }
0xae: {  	[hbm4b:s1+s16] =	stream.indirect_vreg.scatter [tilespmem:s0], [sflag:$0x2], $0x1, v8, vm0, $0x4038;
	[tilespmem:$0xF030] =	vst v63  }
0xaf: {  	v3 =	vld [tilespmem:s28+$0xD570];
	_ =	sdelay $0x4  }
0xb0: {  	v3 =	vshift.insert v3, v0, s21  }
0xb1: {  	s0 =	simm.s32 $0x30  }
0xb2: {  	[tilespmem:s0+$0x0] =	vst.msk $0x1, v3  }
0xb3: {  	v3 =	vsel vm4, $0x1, v1;
	[tilespmem:$0x90] =	vst v6  }
0xb4: {  	s0 =	sadd.s32 @!p1 $0xD57F, s28;
	[tilespmem:$0xA0] =	vst v3  }
0xb5: {  	[spmem:s14] =	stream.linear.scatter @!p1 [tilespmem:s0], [sflag:$0x1], $0x1, $0x38;
	[tilespmem:$0xF030] =	vst v63  }
0xb6: {  	s0 =	simm.s32 @!p1 $0x1  }
0xb7: {  	v3 =	vmctz.xlane @!p1 vm4;
	_ =	swait.ge @!p1 [sflag:s0], $0x1  }
0xb8: {  	(v2sf) =	vpush @!p1 v4, $0x0  }
0xb9: {  	(v2sf) =	vpush @!p1 v3, $0x0;
	_ =	sdelay $0xd  }
0xba: {  	s2 =	spop @!p1 (v2sf)  }
0xbb: {  	s6 =	spop @!p1 (v2sf)  }
0xbc: {  	p2 =	sne.s32 @!p1 s26, s2;
	p3 =	slt.s32 @!p1 s6, $0xF  }
0xbd: {  	[sflag:s0] =	ssyncset.done @!p1 $0x0;
	p2 =	por p2, p1;
	p3 =	por !p3, p1  }
0xbe: {  	[sflag:s0] =	ssyncadd.s32 @!p1 $0xFFFFFFFF;
	v3 =	vimm.s32 @!p2 $0xFFFFFFFF;
	s6 =	simm.s32 @p3 $0xF  }
0xbf: {  	[tilespmem:$0x80] =	vst @!p2 v3;
	s2 =	sadd.s32 @!p1 $0x90, s6  }
0xc0: {  	[spmem:s10] =	stream.linear.scatter @!p1 [tilespmem:s2], [sflag:$0x1], $0x1, $0x38;
	[tilespmem:$0xF030] =	vst v63  }
0xc1: {  	_ =	swait.ge @!p1 [sflag:s0], $0x1  }
0xc2: {  	[sflag:s0] =	ssyncset.done @!p1 $0x0  }
0xc3: {  	s2 =	simm.s32 @!p1 $0x80;
	[sflag:s0] =	ssyncadd.s32 @!p1 $0xFFFFFFFF  }
0xc4: {  	[spmem:s15] =	stream.linear.scatter @!p1 [tilespmem:s2], [sflag:$0x1], $0x1, $0x38;
	[tilespmem:$0xF030] =	vst v63  }
0xc5: {  	_ =	swait.ge @!p1 [sflag:s0], $0x1  }
0xc6: {  	[sflag:s0] =	ssyncset.done @!p1 $0x0  }
0xc7: {  	[sflag:s0] =	ssyncadd.s32 @!p1 $0xFFFFFFFF;
	(ifvalue) =	ssetifvalue $0xFFFFFFFF;
	v3 =	vld [tilespmem:s25+$0x10];
	_ =	sdelay $0x3  }
.Ltmp6:
0xc8: {  	_ = 	snop;
	(pc) =	sbr.rel .LBB2_9-.Ltmp6, $3  }
0xc9: {  	_ =	sdelay $0x1  }
0xca: {  	(ifvalue) =	ssetifvalue $0xFFFFFFFF  }
0xcb: {  	[hbm4b:s1+s16] =	stream.indirect_vreg.scatter [tilespmem:s29], [sflag:$0x9], $0x1, v3, vm0, $0x4038;
	[tilespmem:$0xF030] =	vst v63  }
.LBB2_10:
0xcc: {  	_ =	sfence.sel $0x180000  }
0xcd: {  	s0 =	simm.s32 $0x7;
	[bflag:$0x0] =	sbarrier.arrive $0xFFFF  }
0xce: {  	s26 =	simm.s32 $0x8;
	[sflag:s0] =	ssyncpa.u1 $0x1  }
0xcf: {  	s28 =	simm.s32 $0x9;
	[sflag:s26] =	ssyncpa.u1 $0x1  }
0xd0: {  	[sflag:s28] =	ssyncpa.u1 $0x1  }
0xd1: {  	_ =	sfence.stream.spmem  }
0xd2: {  	s29 =	simm.s32 $0x3;
	[bflag:$0x0] =	sbarrier.arrive $0xFFFF  }
0xd3: {  	s30 =	simm.s32 $0x4;
	[sflag:s29] =	ssyncpa.u1 $0x1  }
0xd4: {  	s31 =	simm.s32 $0x3C;
	s2 =	stileid.u32;
	[sflag:s30] =	ssyncpa.u1 $0x1  }
0xd5: {  	p0 =	sne.s32 s2, $0x0;
	[sflag:s31] =	ssyncpa.u1 $0x1  }
0xd6: {  	s0 =	simm.s32 @p0 $0x1;
	_ =	sfence @p0  }
0xd7: {  	[sflag:s0] =	ssyncpa.u1 @p0 $0x1;
	s0 =	simm.s32 @p0 $0x2  }
0xd8: {  	[sflag:s0] =	ssyncpa.u1 @p0 $0x1  }
0xd9: {  	_ =	strace @p0 $0x90000047  }
0xda: {  	[bflag:$0x2] =	sbarrier.arrive @p0 $0xFFFF  }
0xdb: {  	_ =	shalt @p0  }
.LBB2_11:
0xdc: {  	_ =	sfence.stream.spmem;
	s0 =	simm.s32 $0x5  }
0xdd: {  	s2 =	simm.s32 $0x80;
	s3 =	simm.s32 $0xC0;
	[sflag:s0] =	ssyncpa.u1 $0x0  }
0xde: {  	[tilespmem:s3], [sflag:$0x5] =	stream.linear.gather [spmem:s2], $0x20, $0x38;
	[tilespmem:$0xF030] =	vst v63  }
0xdf: {  	s2 =	simm.s32 $0x0;
	s3 =	simm.s32 $0xE0  }
0xe0: {  	[tilespmem:s3], [sflag:$0x5] =	stream.linear.gather [spmem:s2], $0x20, $0x38;
	[tilespmem:$0xF030] =	vst v63  }
.Ltmp7:
0xe1: {  	_ = 	snop;
	(pc) =	sbr.rel .LBB2_12-.Ltmp7, $4  }
0xe2: {  	_ =	swait.ge [sflag:s0], $0x40  }
0xe3: {  	[sflag:s0] =	ssyncset.done $0x0  }
0xe4: {  	s31 =	simm.s32 $0x6;
	[sflag:s0] =	ssyncadd.s32 $0xFFFFFFC0  }
0xe5: {  	s4 =	simm.s32 $0x0;
	[sflag:s31] =	ssyncpa.u1 $0x0  }
.LBB2_17:
0xe6: {  	p0 =	sgt.u32 s5, $0x27FF  }
0xe7: {  	s0 =	sshrl.u32 @!p0 s5, $0x3  }
0xe8: {  	s5 =	sand.u32 @!p0 $0x7, s5;
	s6 =	simm.s32 @!p0 $0xB0;
	s0 =	sadd.s32 @!p0 s1, s0  }
0xe9: {  	[tilespmem:s6], [sflag:$0x6] =	stream.linear.gather @!p0 [hbm4b:s0+s5], $0x1, $0x38;
	[tilespmem:$0xF030] =	vst v63  }
0xea: {  	s0 =	simm.s32 @!p0 $0x6  }
0xeb: {  	_ =	swait.ge @!p0 [sflag:s0], $0x1  }
0xec: {  	[sflag:s0] =	ssyncset.done @!p0 $0x0  }
0xed: {  	[sflag:s0] =	ssyncadd.s32 @!p0 $0xFFFFFFFF  }
0xee: {  	v2 =	vmov @!p0 s4;
	v1 =	vld.msk @!p0 [tilespmem:$0xB0], $0x1;
	_ =	sdelay $0x3  }
0xef: {  	s0 =	simm.s32 @!p0 $0xE0  }
0xf0: {  	[tilespmem:v2+s0+$0x0], v1 =	vst.idx.ret.add.f32.msk @!p0 $0x1, v1  }
0xf1: {  	[tilespmem:s2+$0xC0] =	vst.msk $0x1, v0  }
0xf2: {  	v0 =	vld.msk [tilespmem:s4+$0xE0], $0x1;
	_ =	sdelay $0x4  }
0xf3: {  	[tilespmem:s2+$0xE0] =	vst.msk $0x1, v0;
	s2 =	sadd.s32 $0x1, s2  }
.LBB2_19:
0xf4: {  	s4 =	sadd.s32 $0x1, s4  }
0xf5: {  	p0 =	sne.s32 s4, $0x20  }
.Ltmp8:
0xf6: {  	_ = 	snop;
	(pc) =	sbr.rel @!p0 .LBB2_20-.Ltmp8, $1  }
0xf7: {  	_ =	sdelay $0x3  }
.LBB2_12:
0xf8: {  	v0 =	vld.msk [tilespmem:s4+$0xC0], $0x1;
	_ =	sdelay $0x4  }
0xf9: {  	(v2sf) =	vpush v0, $0x0;
	_ =	sdelay $0xe  }
0xfa: {  	s5 =	spop (v2sf)  }
0xfb: {  	p0 =	seq.s32 s5, $0xFFFFFFFF  }
.Ltmp9:
0xfc: {  	_ = 	snop;
	(pc) =	sbr.rel @p0 .LBB2_19-.Ltmp9, $1  }
0xfd: {  	_ =	sdelay $0x3  }
0xfe: {  	p0 =	slt.s32 s2, $0x1  }
.Ltmp10:
0xff: {  	_ = 	snop;
	(pc) =	sbr.rel @p0 .LBB2_17-.Ltmp10, $1  }
0x100: {  	_ =	sdelay $0x3  }
0x101: {  	s0 =	simm.s32 $0xC0;
	p0 =	por $0x0, $0x0  }
0x102: {  	v1 =	vld.msk @!p0 [tilespmem:s0+$0x0], $0x1;
	_ =	sdelay $0x4  }
0x103: {  	(v2sf) =	vpush @!p0 v1, $0x0;
	_ =	sdelay $0xd  }
0x104: {  	p2 =	sne.s32 s2, $0x1  }
.Ltmp11:
0x105: {  	s6 =	spop @!p0 (v2sf);
	(pc) =	sbr.rel @!p2 .LBB2_16-.Ltmp11, $4  }
0x106: {  	p1 =	seq.s32 @!p0 s5, s6  }
0x107: {  	s6 =	simm.s32 $0x0;
	p1 =	por !p1, p0  }
0x108: {  	s8 =	simm.s32 $0xFFFFFFFF;
	s6 =	simm.s32 @p1 $0xFFFFFFFF  }
0x109: {  	s7 =	simm.s32 $0x1;
	s6 =	smov.u32 @p0 s8  }
.LBB2_15:
0x10a: {  	s8 =	smov.u32 s6;
	p0 =	sne.s32 s6, $0xFFFFFFFF  }
0x10b: {  	s0 =	sadd.s32 $0x1, s0;
	s6 =	smov.u32 s7;
	s7 =	sadd.s32 $0x1, s7  }
0x10c: {  	p1 =	sne.s32 s2, s7;
	v1 =	vld.msk @!p0 [tilespmem:s0+$0x0], $0x1;
	_ =	sdelay $0x4  }
0x10d: {  	(v2sf) =	vpush @!p0 v1, $0x0;
	_ =	sdelay $0xe  }
.Ltmp12:
0x10e: {  	s9 =	spop @!p0 (v2sf);
	(pc) =	sbr.rel @p1 .LBB2_15-.Ltmp12, $4  }
0x10f: {  	p2 =	seq.s32 @!p0 s5, s9  }
0x110: {  	p2 =	por !p2, p0  }
0x111: {  	s6 =	simm.s32 @p2 $0xFFFFFFFF  }
0x112: {  	s6 =	smov.u32 @p0 s8  }
.LBB2_16:
0x113: {  	p0 =	sne.s32 s6, $0xFFFFFFFF  }
.Ltmp13:
0x114: {  	_ = 	snop;
	(pc) =	sbr.rel @!p0 .LBB2_17-.Ltmp13, $1  }
0x115: {  	_ =	sdelay $0x3  }
0x116: {  	v0 =	vld.msk [tilespmem:s4+$0xE0], $0x1;
	v1 =	vmov s6  }
.Ltmp14:
0x117: {  	_ = 	snop;
	(pc) =	sbr.rel .LBB2_19-.Ltmp14, $2  }
0x118: {  	_ =	sdelay $0x2  }
0x119: {  	[tilespmem:v1+s3+$0x0], v0 =	vst.idx.ret.add.f32.msk $0x1, v0  }
.LBB2_20:
0x11a: {  	p0 =	slt.s32 s2, $0x1  }
.Ltmp15:
0x11b: {  	_ = 	snop;
	(pc) =	sbr.rel @p0 .LBB2_24-.Ltmp15, $3  }
0x11c: {  	_ =	sdelay $0x1  }
0x11d: {  	s0 =	simm.s32 $0x6  }
0x11e: {  	s3 =	simm.s32 $0x0;
	[sflag:s0] =	ssyncpa.u1 $0x1  }
0x11f: {  	s0 =	simm.s32 $0xC0  }
0x120: {  	v0 =	vld.msk [tilespmem:s0+$0x0], $0x1;
	_ =	sdelay $0x4  }
0x121: {  	(v2sf) =	vpush v0, $0x0;
	_ =	sdelay $0xe  }
0x122: {  	s2 =	sadd.s32 $0xFFFFFFFF, s2;
	s4 =	spop (v2sf)  }
0x123: {  	p1 =	sne.s32 s2, $0x0;
	p0 =	sgt.u32 s4, $0x27FF  }
.Ltmp16:
0x124: {  	s5 =	sshrl.u32 @!p0 s4, $0x3;
	(pc) =	sbr.rel @!p1 .LBB2_23-.Ltmp16, $4  }
0x125: {  	s0 =	simm.s32 $0xE0;
	s4 =	sand.u32 @!p0 $0x7, s4;
	s5 =	sadd.s32 @!p0 s1, s5  }
0x126: {  	[hbm4b:s5+s4] =	stream.linear.scatter @!p0 [tilespmem:s0], [sflag:$0x5], $0x1, $0x38;
	[tilespmem:$0xF030] =	vst v63  }
0x127: {  	s5 =	simm.s32 $0x0  }
0x128: {  	s4 =	simm.s32 $0xC1;
	s5 =	simm.s32 @!p0 $0x4  }
.LBB2_22:
0x129: {  	v0 =	vld.msk [tilespmem:s4+$0x0], $0x1;
	s2 =	sadd.s32 $0xFFFFFFFF, s2;
	s3 =	sadd.s32 s3, s5  }
0x12a: {  	p0 =	sne.s32 s2, $0x0;
	_ =	sdelay $0x3  }
0x12b: {  	(v2sf) =	vpush v0, $0x0;
	_ =	sdelay $0xe  }
.Ltmp17:
0x12c: {  	s6 =	spop (v2sf);
	(pc) =	sbr.rel @p0 .LBB2_22-.Ltmp17, $4  }
0x12d: {  	s5 =	simm.s32 $0x0;
	p1 =	sgt.u32 s6, $0x27FF  }
0x12e: {  	s0 =	sadd.s32 $0x1, s0;
	s5 =	simm.s32 @!p1 $0x4;
	s7 =	sshrl.u32 @!p1 s6, $0x3  }
0x12f: {  	s4 =	sadd.s32 $0x1, s4;
	s6 =	sand.u32 @!p1 $0x7, s6;
	s7 =	sadd.s32 @!p1 s1, s7  }
0x130: {  	[hbm4b:s7+s6] =	stream.linear.scatter @!p1 [tilespmem:s0], [sflag:$0x5], $0x1, $0x38;
	[tilespmem:$0xF030] =	vst v63  }
.LBB2_23:
0x131: {  	s0 =	sadd.s32 s3, s5  }
0x132: {  	s3 =	sshrl.u32 s0, $0x2  }
.LBB2_24:
0x133: {  	s0 =	simm.s32 $0x5  }
0x134: {  	_ =	swait.ge [sflag:s0], s3  }
0x135: {  	s1 =	ssub.s32 $0x0, s3;
	[sflag:s0] =	ssyncset.done $0x0  }
0x136: {  	[sflag:s0] =	ssyncadd.s32 s1  }
0x137: {  	[sflag:s0] =	ssyncpa.u1 $0x1  }
0x138: {  	s29 =	simm.s32 $0x1;
	_ =	sfence  }
0x139: {  	s30 =	simm.s32 $0x2;
	[sflag:s29] =	ssyncpa.u1 $0x1  }
0x13a: {  	[sflag:s30] =	ssyncpa.u1 $0x1  }
0x13b: {  	_ =	strace $0x90000047  }
0x13c: {  	[bflag:$0x2] =	sbarrier.arrive $0xFFFF  }
0x13d: {  	s31 =	rddreg [dreg:$0x1]  }
0x13e: {  	s0 =	sadd.s32 $0x100000, s31  }
0x13f: {  	[sflag:s0] =	ssyncadd.tile.s32 $0x1;
	_ =	shalt  }
.Lfunc_end2:
_tile_overlayer_lowered:
.L_overlay_start_2:
0x140: {  	(tag) =	ssettag $0x2  }
0x141: {  	s0 =	rddreg [dreg:$0x0];
	s2 =	stileid.u32  }
0x142: {  	s1 =	rddreg [dreg:$0x1];
	p0 =	sne.s32 s2, $0x0  }
0x143: {  	s3 =	rddreg [dreg:$0x2];
	[bflag:$0x3] =	sbarrier.arrive $0xFFFF;
	s2 =	simm.s32 @!p0 $0x1C01  }
0x144: {  	[timem:s3], [sflag:s2] =	dma.local @!p0 [hbm:s0], s1  }
0x145: {  	s0 =	simm.s32 @!p0 $0x1  }
0x146: {  	_ =	swait.ge @!p0 [sflag:s0], s1  }
0x147: {  	s1 =	ssub.s32 @!p0 $0x0, s1;
	[sflag:s0] =	ssyncset.done @!p0 $0x0  }
0x148: {  	[sflag:s0] =	ssyncadd.s32 @!p0 s1  }
0x149: {  	[bflag:$0x3] =	sbarrier.arrive $0xFFFF  }
0x14a: {  	_ =	shalt  }

</sc_bundles>
